<compile_context>
chip_gen: v7x
topology: tpu7x:2x2x1
jax: 0.10.2.dev20260603
libtpu: 0.0.44.dev20260713+nightly
codegen_flags: <defaults>
</compile_context>

<pallas_src>
import jax
import jax.numpy as jnp
from jax import lax
from jax.experimental import pallas as pl
from jax.experimental.pallas import tpu as pltpu
from jax.experimental.pallas import tpu_sc as plsc

NCORES = 2
NSUB = 16
NTILES = NCORES * NSUB
CHUNK = 80


def _sc_aggregate(x, ei, n_pad, n_chunks):
    D = x.shape[1]
    rows_per_tile = n_pad // NSUB
    n_zero_copies = rows_per_tile // CHUNK
    zero_rem = rows_per_tile % CHUNK

    def body(x_hbm, ei_hbm, agg_out, cnt_out,
             acc, cnta, idx_c, rows, ones_v, zc, isem, gsem, csem, ssem):
        c = lax.axis_index("c")
        s = lax.axis_index("s")
        w = c * NSUB + s
        ept = n_chunks * CHUNK
        n_edges = NTILES * ept
        ebase = w * ept

        def fetch_idx(j, slot):
            off = ebase + j * CHUNK
            pltpu.async_copy(ei_hbm.at[pl.ds(off, CHUNK)],
                             idx_c.at[slot, 0], isem)
            pltpu.async_copy(ei_hbm.at[pl.ds(n_edges + off, CHUNK)],
                             idx_c.at[slot, 1], isem)

        def wait_idx():
            pltpu.make_async_copy(ei_hbm.at[pl.ds(0, CHUNK)],
                                  idx_c.at[0, 0], isem).wait()
            pltpu.make_async_copy(ei_hbm.at[pl.ds(0, CHUNK)],
                                  idx_c.at[0, 1], isem).wait()

        def fill_rows(i, carry):
            r = i // (D // 16)
            k = i % (D // 16)
            rows[2, r, pl.ds(k * 16, 16)] = jnp.zeros((16,), jnp.float32)
            return carry

        lax.fori_loop(0, CHUNK * (D // 16), fill_rows, 0)

        def fill_ones(i, carry):
            ones_v[pl.ds(i * 16, 16)] = jnp.ones((16,), jnp.float32)
            return carry

        lax.fori_loop(0, CHUNK // 16, fill_ones, 0)

        def fill_zc(i, carry):
            zc[pl.ds(i * 16, 16)] = jnp.zeros((16,), jnp.float32)
            return carry

        lax.fori_loop(0, rows_per_tile // 16, fill_zc, 0)

        fetch_idx(0, 0)
        fetch_idx(1, 1)
        fetch_idx(2, 2)
        base = s * rows_per_tile
        for k in range(n_zero_copies):
            pltpu.async_copy(rows.at[2], acc.at[pl.ds(base + k * CHUNK, CHUNK)],
                             ssem)
        if zero_rem:
            pltpu.async_copy(rows.at[2, pl.ds(0, zero_rem)],
                             acc.at[pl.ds(base + n_zero_copies * CHUNK, zero_rem)],
                             ssem)
        pltpu.async_copy(zc, cnta.at[pl.ds(base, rows_per_tile)], ssem)
        wait_idx()
        pltpu.async_copy(x_hbm.at[idx_c.at[0, 0]], rows.at[0], gsem)
        wait_idx()
        pltpu.async_copy(x_hbm.at[idx_c.at[1, 0]], rows.at[1], gsem)
        for k in range(n_zero_copies):
            pltpu.make_async_copy(rows.at[2], acc.at[pl.ds(0, CHUNK)], ssem).wait()
        if zero_rem:
            pltpu.make_async_copy(rows.at[2, pl.ds(0, zero_rem)],
                                  acc.at[pl.ds(0, zero_rem)], ssem).wait()
        pltpu.make_async_copy(zc, cnta.at[pl.ds(0, rows_per_tile)], ssem).wait()
        plsc.subcore_barrier()

        def wait_scatter():
            pltpu.make_async_copy(rows.at[0], acc.at[idx_c.at[0, 1]], ssem).wait()

        def wait_count():
            pltpu.make_async_copy(ones_v, cnta.at[idx_c.at[0, 1]], csem).wait()

        def chunk_body(j, carry):
            buf = lax.rem(j, 3)
            sl = lax.rem(j, 4)
            gbuf = lax.rem(j + 2, 3)
            gsl = lax.rem(j + 2, 4)
            psl = lax.rem(j + 3, 4)

            @pl.when(j >= 1)
            def _():
                wait_scatter()
                wait_count()

            @pl.when(j + 3 < n_chunks)
            def _():
                fetch_idx(j + 3, psl)

            @pl.when(j + 2 < n_chunks)
            def _():
                wait_idx()
                pltpu.async_copy(x_hbm.at[idx_c.at[gsl, 0]], rows.at[gbuf], gsem)

            pltpu.make_async_copy(x_hbm.at[idx_c.at[sl, 0]], rows.at[buf], gsem).wait()
            pltpu.async_copy(ones_v, cnta.at[idx_c.at[sl, 1]], csem, add=True)
            pltpu.async_copy(rows.at[buf], acc.at[idx_c.at[sl, 1]], ssem, add=True)
            return carry

        lax.fori_loop(0, n_chunks - 1, chunk_body, 0)

        jl = n_chunks - 1
        buf = (jl) % 3
        sl = (jl) % 4
        wait_scatter()
        wait_count()
        pltpu.make_async_copy(x_hbm.at[idx_c.at[sl, 0]], rows.at[buf], gsem).wait()
        pltpu.async_copy(ones_v, cnta.at[idx_c.at[sl, 1]], csem, add=True)
        pltpu.async_copy(rows.at[buf], acc.at[idx_c.at[sl, 1]], ssem, add=True)
        wait_scatter()
        wait_count()
        plsc.subcore_barrier()

        wb = pltpu.async_copy(acc.at[pl.ds(base, rows_per_tile)],
                              agg_out.at[c, pl.ds(base, rows_per_tile)], gsem)
        wc = pltpu.async_copy(cnta.at[pl.ds(base, rows_per_tile)],
                              cnt_out.at[c, pl.ds(base, rows_per_tile)], csem)
        wb.wait()
        wc.wait()

    run = pl.kernel(
        body,
        out_type=(jax.ShapeDtypeStruct((NCORES, n_pad, D), jnp.float32),
                  jax.ShapeDtypeStruct((NCORES, n_pad), jnp.float32)),
        mesh=plsc.VectorSubcoreMesh(core_axis_name="c", subcore_axis_name="s"),
        scratch_types=(
            pltpu.VMEM_SHARED((n_pad, D), jnp.float32),
            pltpu.VMEM_SHARED((n_pad,), jnp.float32),
            pltpu.VMEM((4, 2, CHUNK), jnp.int32),
            pltpu.VMEM((3, CHUNK, D), jnp.float32),
            pltpu.VMEM((CHUNK,), jnp.float32),
            pltpu.VMEM((n_pad // NSUB,), jnp.float32),
            pltpu.SemaphoreType.DMA,
            pltpu.SemaphoreType.DMA,
            pltpu.SemaphoreType.DMA,
            pltpu.SemaphoreType.DMA,
        ),
    )
    return run(x, ei)


def _tc_combine(agg, cnt, x, wlT, wrT, b):
    N, D = x.shape
    BT = 1000

    def body(agg_ref, cnt_ref, x_ref, wl_ref, wr_ref, b_ref, out_ref):
        p = agg_ref[0] + agg_ref[1]
        cnt_col = cnt_ref[...]
        mean = p / jnp.maximum(cnt_col, 1.0)
        acc = jnp.dot(mean, wl_ref[...], preferred_element_type=jnp.float32)
        acc = acc + jnp.dot(x_ref[...], wr_ref[...], preferred_element_type=jnp.float32)
        out_ref[...] = jnp.maximum(acc + b_ref[...], 0.0)

    return pl.pallas_call(
        body,
        out_shape=jax.ShapeDtypeStruct((N, D), jnp.float32),
        grid=(N // BT,),
        in_specs=[
            pl.BlockSpec((NCORES, BT, D), lambda i: (0, i, 0)),
            pl.BlockSpec((BT, 1), lambda i: (i, 0)),
            pl.BlockSpec((BT, D), lambda i: (i, 0)),
            pl.BlockSpec((D, D), lambda i: (0, 0)),
            pl.BlockSpec((D, D), lambda i: (0, 0)),
            pl.BlockSpec((1, D), lambda i: (0, 0)),
        ],
        out_specs=pl.BlockSpec((BT, D), lambda i: (i, 0)),
    )(agg, cnt, x, wlT, wrT, b)


def kernel(x, edge_index, W_l, b_l, W_r):
    N, D = x.shape
    E = edge_index.shape[1]

    ept = E // NTILES
    n_chunks = ept // CHUNK
    n_pad = -(-(N + 1) // (NSUB * 16)) * (NSUB * 16)

    agg, cnt = _sc_aggregate(x, edge_index.reshape(2 * E), n_pad, n_chunks)
    return _tc_combine(agg, (cnt[0] + cnt[1]).reshape(n_pad, 1), x,
                       W_l.T, W_r.T, b_l.reshape(1, D))

# --- scband reference (transcript-rebuilt; emitter-appended) ---
"""Pipeline reference for scband-simple-sage-65584150609961 (READ-ONLY COPY).

The authoritative reference and input builder live on the scoring server;
editing this copy changes nothing except your own understanding.
"""

import jax, jax.numpy as jnp
import numpy as np

N = 10000
E = 320000
D = 128

def setup_inputs(seed: int = 0) -> dict:
    key = jax.random.key(seed)
    k1, k2, k3, k4 = jax.random.split(key, 4)
    x = jax.random.normal(k1, (N, D), dtype=jnp.float32)
    edge_index = jax.random.randint(k2, (2, E), 0, N, dtype=jnp.int32)
    # SAGEConv params: lin_l (aggregated neighbors, with bias), lin_r (root, no bias)
    W_l = jax.random.normal(k3, (D, D), dtype=jnp.float32) * (1.0 / np.sqrt(D))
    b_l = jnp.zeros((D,), dtype=jnp.float32)
    W_r = jax.random.normal(k4, (D, D), dtype=jnp.float32) * (1.0 / np.sqrt(D))
    return {"x": x, "edge_index": edge_index, "W_l": W_l, "b_l": b_l, "W_r": W_r}

def reference(x, edge_index, W_l, b_l, W_r):
    # SAGEConv with mean aggregation: out = lin_l(mean_{j in N(i)} x_j) + lin_r(x_i)
    src = edge_index[0]
    dst = edge_index[1]
    msgs = jnp.take(x, src, axis=0)                                  # gather [E, D]
    agg = jax.ops.segment_sum(msgs, dst, num_segments=x.shape[0])    # scatter-add [N, D]
    ones = jnp.ones((edge_index.shape[1],), dtype=x.dtype)
    cnt = jax.ops.segment_sum(ones, dst, num_segments=x.shape[0])
    mean = agg / jnp.clip(cnt, 1.0)[:, None]
    out = mean @ W_l.T + b_l + x @ W_r.T
    # F.relu then F.dropout (eval mode -> identity)
    return jax.nn.relu(out)

if __name__ == "__main__":
    import jax
    _d = setup_inputs()
    print(jax.jit(kernel)(*tuple(_d.values())))

</pallas_src>

<mosaic_0001>
#map = affine_map<(d0, d1) -> (0, 0)>
#map1 = affine_map<(d0, d1) -> (0)>
#map2 = affine_map<(d0, d1) -> (0, 0, 0)>
module attributes {stable_mosaic.version = 14 : i64} {
  func.func @body(%arg0: i32, %arg1: i32, %arg2: memref<10000x128xf32, #tpu.memory_space<hbm>>, %arg3: memref<640000xi32, #tpu.memory_space<hbm>>, %arg4: memref<2x10240x128xf32, #tpu.memory_space<hbm>>, %arg5: memref<2x10240xf32, #tpu.memory_space<hbm>>, %arg6: memref<10240x128xf32, #tpu.memory_space<vmem_shared>>, %arg7: memref<10240xf32, #tpu.memory_space<vmem_shared>>, %arg8: memref<4x2x80xi32, #tpu.memory_space<vmem>>, %arg9: memref<3x80x128xf32, #tpu.memory_space<vmem>>, %arg10: memref<80xf32, #tpu.memory_space<vmem>>, %arg11: memref<640xf32, #tpu.memory_space<vmem>>, %arg12: memref<!tpu.dma_semaphore, #tpu.memory_space<semaphore_mem>>, %arg13: memref<!tpu.dma_semaphore, #tpu.memory_space<semaphore_mem>>, %arg14: memref<!tpu.dma_semaphore, #tpu.memory_space<semaphore_mem>>, %arg15: memref<!tpu.dma_semaphore, #tpu.memory_space<semaphore_mem>>) attributes {dimension_semantics = [#tpu.dimension_semantics<core_parallel>, #tpu.dimension_semantics<subcore_parallel>], iteration_bounds = array<i64: 2, 16>, scalar_prefetch = 0 : i64, scratch_operands = 10 : i64, tpu.core_type = #tpu.core_type<sc_vector_subcore>, window_params = [{transform_indices = #map}, {transform_indices = #map1}, {transform_indices = #map2}, {transform_indices = #map}]} {
    %mul3A = arith.constant 16 : i32
    %mul3A_0 = arith.muli %arg0, %mul3A : i32
    %add3A = arith.addi %mul3A_0, %arg1 : i32
    %mul3A_1 = arith.constant 10000 : i32
    %mul3A_2 = arith.muli %add3A, %mul3A_1 : i32
    %scan3A = arith.constant 0 : i32
    %scan3A_3 = arith.constant 0 : i32
    %scan3A_4 = arith.constant 640 : i32
    %scan3A_5 = arith.addi %scan3A_3, %scan3A_4 : i32
    %scan3A_6 = arith.constant 1 : i32
    scf.for %scan3A_508 = %scan3A_3 to %scan3A_5 step %scan3A_6  : i32 {
      %jit3A = arith.constant 8 : i32
      %div3A = arith.divsi %scan3A_508, %jit3A : i32
      %sign3A = arith.constant 0 : i32
      %sign3A_509 = arith.cmpi sgt, %scan3A_508, %sign3A : i32
      %sign3A_510 = arith.extui %sign3A_509 : i1 to i32
      %sign3A_511 = arith.constant 0 : i32
      %sign3A_512 = arith.cmpi slt, %scan3A_508, %sign3A_511 : i32
      %sign3A_513 = arith.extui %sign3A_512 : i1 to i32
      %sign3A_514 = arith.subi %sign3A_510, %sign3A_513 : i32
      %sign3A_515 = arith.constant 0 : i32
      %sign3A_516 = arith.cmpi sgt, %jit3A, %sign3A_515 : i32
      %sign3A_517 = arith.extui %sign3A_516 : i1 to i32
      %sign3A_518 = arith.constant 0 : i32
      %sign3A_519 = arith.cmpi slt, %jit3A, %sign3A_518 : i32
      %sign3A_520 = arith.extui %sign3A_519 : i1 to i32
      %sign3A_521 = arith.subi %sign3A_517, %sign3A_520 : i32
      %ne3A = arith.cmpi ne, %sign3A_514, %sign3A_521 : i32
      %rem3A = arith.remsi %scan3A_508, %jit3A : i32
      %ne3A_522 = arith.constant 0 : i32
      %ne3A_523 = arith.cmpi ne, %rem3A, %ne3A_522 : i32
      %and3A = arith.andi %ne3A, %ne3A_523 : i1
      %sub3A = arith.constant 1 : i32
      %sub3A_524 = arith.subi %div3A, %sub3A : i32
      %select_n3A = arith.select %and3A, %sub3A_524, %div3A : i32
      %jit3A_525 = arith.constant 8 : i32
      %eq3A = arith.constant 0 : i32
      %eq3A_526 = arith.cmpi eq, %jit3A_525, %eq3A : i32
      %jit3A_527 = arith.constant 1 : i32
      %select_n3A_528 = arith.select %eq3A_526, %jit3A_527, %jit3A_525 : i32
      %rem3A_529 = arith.remsi %scan3A_508, %select_n3A_528 : i32
      %ne3A_530 = arith.constant 0 : i32
      %ne3A_531 = arith.cmpi ne, %rem3A_529, %ne3A_530 : i32
      %lt3A = arith.constant 0 : i32
      %lt3A_532 = arith.cmpi slt, %rem3A_529, %lt3A : i32
      %lt3A_533 = arith.constant 0 : i32
      %lt3A_534 = arith.cmpi slt, %select_n3A_528, %lt3A_533 : i32
      %ne3A_535 = arith.xori %lt3A_532, %lt3A_534 : i1
      %and3A_536 = arith.andi %ne3A_535, %ne3A_531 : i1
      %add3A_537 = arith.addi %rem3A_529, %select_n3A_528 : i32
      %select_n3A_538 = arith.select %and3A_536, %add3A_537, %rem3A_529 : i32
      %broadcast_in_dim3A = arith.constant 0.000000e+00 : f32
      %broadcast_in_dim3A_539 = vector.broadcast %broadcast_in_dim3A : f32 to vector<16xf32>
      %mul3A_540 = arith.constant 16 : i32
      %mul3A_541 = arith.muli %select_n3A_538, %mul3A_540 : i32
      %swap3A = arith.constant 2 : i32
      %swap3A_542 = arith.index_cast %swap3A : i32 to index
      %swap3A_543 = arith.index_cast %select_n3A : i32 to index
      %swap3A_544 = arith.index_cast %mul3A_541 : i32 to index
      %swap3A_545 = tpu.vector_load %arg9[%swap3A_542, %swap3A_543, %swap3A_544] {strides = array<i32>} : memref<3x80x128xf32, #tpu.memory_space<vmem>>, vector<1x1x16xf32>,
      %swap3A_546 = vector.shape_cast %swap3A_545 : vector<1x1x16xf32> to vector<16xf32>
      %swap3A_547 = vector.shape_cast %broadcast_in_dim3A_539 : vector<16xf32> to vector<1x1x16xf32>
      tpu.vector_store %arg9[%swap3A_542, %swap3A_543, %swap3A_544], %swap3A_547 {strides = array<i32>} : memref<3x80x128xf32, #tpu.memory_space<vmem>>, vector<1x1x16xf32>,
    }
    %scan3A_7 = arith.constant 640 : i32
    %scan3A_8 = arith.constant 0 : i32
    %scan3A_9 = arith.constant 0 : i32
    %scan3A_10 = arith.constant 5 : i32
    %scan3A_11 = arith.addi %scan3A_9, %scan3A_10 : i32
    %scan3A_12 = arith.constant 1 : i32
    scf.for %scan3A_508 = %scan3A_9 to %scan3A_11 step %scan3A_12  : i32 {
      %broadcast_in_dim3A = arith.constant 1.000000e+00 : f32
      %broadcast_in_dim3A_509 = vector.broadcast %broadcast_in_dim3A : f32 to vector<16xf32>
      %mul3A_510 = arith.constant 16 : i32
      %mul3A_511 = arith.muli %scan3A_508, %mul3A_510 : i32
      %swap3A = arith.index_cast %mul3A_511 : i32 to index
      %swap3A_512 = tpu.vector_load %arg10[%swap3A] {strides = array<i32>} : memref<80xf32, #tpu.memory_space<vmem>>, vector<16xf32>,
      %swap3A_513 = vector.shape_cast %swap3A_512 : vector<16xf32> to vector<16xf32>
      %swap3A_514 = vector.shape_cast %broadcast_in_dim3A_509 : vector<16xf32> to vector<16xf32>
      tpu.vector_store %arg10[%swap3A], %swap3A_514 {strides = array<i32>} : memref<80xf32, #tpu.memory_space<vmem>>, vector<16xf32>,
    }
    %scan3A_13 = arith.constant 5 : i32
    %scan3A_14 = arith.constant 0 : i32
    %scan3A_15 = arith.constant 0 : i32
    %scan3A_16 = arith.constant 40 : i32
    %scan3A_17 = arith.addi %scan3A_15, %scan3A_16 : i32
    %scan3A_18 = arith.constant 1 : i32
    scf.for %scan3A_508 = %scan3A_15 to %scan3A_17 step %scan3A_18  : i32 {
      %broadcast_in_dim3A = arith.constant 0.000000e+00 : f32
      %broadcast_in_dim3A_509 = vector.broadcast %broadcast_in_dim3A : f32 to vector<16xf32>
      %mul3A_510 = arith.constant 16 : i32
      %mul3A_511 = arith.muli %scan3A_508, %mul3A_510 : i32
      %swap3A = arith.index_cast %mul3A_511 : i32 to index
      %swap3A_512 = tpu.vector_load %arg11[%swap3A] {strides = array<i32>} : memref<640xf32, #tpu.memory_space<vmem>>, vector<16xf32>,
      %swap3A_513 = vector.shape_cast %swap3A_512 : vector<16xf32> to vector<16xf32>
      %swap3A_514 = vector.shape_cast %broadcast_in_dim3A_509 : vector<16xf32> to vector<16xf32>
      tpu.vector_store %arg11[%swap3A], %swap3A_514 {strides = array<i32>} : memref<640xf32, #tpu.memory_space<vmem>>, vector<16xf32>,
    }
    %scan3A_19 = arith.constant 40 : i32
    %add3A_20 = arith.constant 0 : i32
    %add3A_21 = arith.addi %mul3A_2, %add3A_20 : i32
    %dma_start3A = arith.constant 0 : i32
    %dma_start3A_22 = arith.constant 0 : i32
    %dma_start3A_23 = arith.constant 0 : i32
    %dma_start3A_24 = tpu.memref_slice %arg8[%dma_start3A, %dma_start3A_22, %dma_start3A_23] : memref<4x2x80xi32, #tpu.memory_space<vmem>> -> memref<1x1x80xi32, #tpu.memory_space<vmem>>
    %dma_start3A_25 = tpu.memref_squeeze %dma_start3A_24 : memref<1x1x80xi32, #tpu.memory_space<vmem>> -> memref<80xi32, #tpu.memory_space<vmem>>
    %dma_start3A_26 = tpu.memref_slice %arg3[%add3A_21] : memref<640000xi32, #tpu.memory_space<hbm>> -> memref<80xi32, #tpu.memory_space<hbm>>
    %dma_start3A_27 = arith.constant 0 : i32
    %dma_start3A_28 = tpu.memref_slice %arg8[%dma_start3A, %dma_start3A_22, %dma_start3A_27] : memref<4x2x80xi32, #tpu.memory_space<vmem>> -> memref<1x1x80xi32, #tpu.memory_space<vmem>>
    %dma_start3A_29 = tpu.memref_squeeze %dma_start3A_28 : memref<1x1x80xi32, #tpu.memory_space<vmem>> -> memref<80xi32, #tpu.memory_space<vmem>>
    %dma_start3A_30 = tpu.memref_slice %arg3[%add3A_21] : memref<640000xi32, #tpu.memory_space<hbm>> -> memref<80xi32, #tpu.memory_space<hbm>>
    tpu.enqueue_dma source(%dma_start3A_30 : memref<80xi32, #tpu.memory_space<hbm>>) target(%dma_start3A_29 : memref<80xi32, #tpu.memory_space<vmem>>) target_semaphore(%arg12 : memref<!tpu.dma_semaphore, #tpu.memory_space<semaphore_mem>>)
    %add3A_31 = arith.constant 320000 : i32
    %add3A_32 = arith.addi %add3A_31, %add3A_21 : i32
    %dma_start3A_33 = arith.constant 0 : i32
    %dma_start3A_34 = arith.constant 1 : i32
    %dma_start3A_35 = arith.constant 0 : i32
    %dma_start3A_36 = tpu.memref_slice %arg8[%dma_start3A_33, %dma_start3A_34, %dma_start3A_35] : memref<4x2x80xi32, #tpu.memory_space<vmem>> -> memref<1x1x80xi32, #tpu.memory_space<vmem>>
    %dma_start3A_37 = tpu.memref_squeeze %dma_start3A_36 : memref<1x1x80xi32, #tpu.memory_space<vmem>> -> memref<80xi32, #tpu.memory_space<vmem>>
    %dma_start3A_38 = tpu.memref_slice %arg3[%add3A_32] : memref<640000xi32, #tpu.memory_space<hbm>> -> memref<80xi32, #tpu.memory_space<hbm>>
    %dma_start3A_39 = arith.constant 0 : i32
    %dma_start3A_40 = tpu.memref_slice %arg8[%dma_start3A_33, %dma_start3A_34, %dma_start3A_39] : memref<4x2x80xi32, #tpu.memory_space<vmem>> -> memref<1x1x80xi32, #tpu.memory_space<vmem>>
    %dma_start3A_41 = tpu.memref_squeeze %dma_start3A_40 : memref<1x1x80xi32, #tpu.memory_space<vmem>> -> memref<80xi32, #tpu.memory_space<vmem>>
    %dma_start3A_42 = tpu.memref_slice %arg3[%add3A_32] : memref<640000xi32, #tpu.memory_space<hbm>> -> memref<80xi32, #tpu.memory_space<hbm>>
    tpu.enqueue_dma source(%dma_start3A_42 : memref<80xi32, #tpu.memory_space<hbm>>) target(%dma_start3A_41 : memref<80xi32, #tpu.memory_space<vmem>>) target_semaphore(%arg12 : memref<!tpu.dma_semaphore, #tpu.memory_space<semaphore_mem>>)
    %add3A_43 = arith.constant 80 : i32
    %add3A_44 = arith.addi %mul3A_2, %add3A_43 : i32
    %dma_start3A_45 = arith.constant 1 : i32
    %dma_start3A_46 = arith.constant 0 : i32
    %dma_start3A_47 = arith.constant 0 : i32
    %dma_start3A_48 = tpu.memref_slice %arg8[%dma_start3A_45, %dma_start3A_46, %dma_start3A_47] : memref<4x2x80xi32, #tpu.memory_space<vmem>> -> memref<1x1x80xi32, #tpu.memory_space<vmem>>
    %dma_start3A_49 = tpu.memref_squeeze %dma_start3A_48 : memref<1x1x80xi32, #tpu.memory_space<vmem>> -> memref<80xi32, #tpu.memory_space<vmem>>
    %dma_start3A_50 = tpu.memref_slice %arg3[%add3A_44] : memref<640000xi32, #tpu.memory_space<hbm>> -> memref<80xi32, #tpu.memory_space<hbm>>
    %dma_start3A_51 = arith.constant 0 : i32
    %dma_start3A_52 = tpu.memref_slice %arg8[%dma_start3A_45, %dma_start3A_46, %dma_start3A_51] : memref<4x2x80xi32, #tpu.memory_space<vmem>> -> memref<1x1x80xi32, #tpu.memory_space<vmem>>
    %dma_start3A_53 = tpu.memref_squeeze %dma_start3A_52 : memref<1x1x80xi32, #tpu.memory_space<vmem>> -> memref<80xi32, #tpu.memory_space<vmem>>
    %dma_start3A_54 = tpu.memref_slice %arg3[%add3A_44] : memref<640000xi32, #tpu.memory_space<hbm>> -> memref<80xi32, #tpu.memory_space<hbm>>
    tpu.enqueue_dma source(%dma_start3A_54 : memref<80xi32, #tpu.memory_space<hbm>>) target(%dma_start3A_53 : memref<80xi32, #tpu.memory_space<vmem>>) target_semaphore(%arg12 : memref<!tpu.dma_semaphore, #tpu.memory_space<semaphore_mem>>)
    %add3A_55 = arith.constant 320000 : i32
    %add3A_56 = arith.addi %add3A_55, %add3A_44 : i32
    %dma_start3A_57 = arith.constant 1 : i32
    %dma_start3A_58 = arith.constant 1 : i32
    %dma_start3A_59 = arith.constant 0 : i32
    %dma_start3A_60 = tpu.memref_slice %arg8[%dma_start3A_57, %dma_start3A_58, %dma_start3A_59] : memref<4x2x80xi32, #tpu.memory_space<vmem>> -> memref<1x1x80xi32, #tpu.memory_space<vmem>>
    %dma_start3A_61 = tpu.memref_squeeze %dma_start3A_60 : memref<1x1x80xi32, #tpu.memory_space<vmem>> -> memref<80xi32, #tpu.memory_space<vmem>>
    %dma_start3A_62 = tpu.memref_slice %arg3[%add3A_56] : memref<640000xi32, #tpu.memory_space<hbm>> -> memref<80xi32, #tpu.memory_space<hbm>>
    %dma_start3A_63 = arith.constant 0 : i32
    %dma_start3A_64 = tpu.memref_slice %arg8[%dma_start3A_57, %dma_start3A_58, %dma_start3A_63] : memref<4x2x80xi32, #tpu.memory_space<vmem>> -> memref<1x1x80xi32, #tpu.memory_space<vmem>>
    %dma_start3A_65 = tpu.memref_squeeze %dma_start3A_64 : memref<1x1x80xi32, #tpu.memory_space<vmem>> -> memref<80xi32, #tpu.memory_space<vmem>>
    %dma_start3A_66 = tpu.memref_slice %arg3[%add3A_56] : memref<640000xi32, #tpu.memory_space<hbm>> -> memref<80xi32, #tpu.memory_space<hbm>>
    tpu.enqueue_dma source(%dma_start3A_66 : memref<80xi32, #tpu.memory_space<hbm>>) target(%dma_start3A_65 : memref<80xi32, #tpu.memory_space<vmem>>) target_semaphore(%arg12 : memref<!tpu.dma_semaphore, #tpu.memory_space<semaphore_mem>>)
    %add3A_67 = arith.constant 160 : i32
    %add3A_68 = arith.addi %mul3A_2, %add3A_67 : i32
    %dma_start3A_69 = arith.constant 2 : i32
    %dma_start3A_70 = arith.constant 0 : i32
    %dma_start3A_71 = arith.constant 0 : i32
    %dma_start3A_72 = tpu.memref_slice %arg8[%dma_start3A_69, %dma_start3A_70, %dma_start3A_71] : memref<4x2x80xi32, #tpu.memory_space<vmem>> -> memref<1x1x80xi32, #tpu.memory_space<vmem>>
    %dma_start3A_73 = tpu.memref_squeeze %dma_start3A_72 : memref<1x1x80xi32, #tpu.memory_space<vmem>> -> memref<80xi32, #tpu.memory_space<vmem>>
    %dma_start3A_74 = tpu.memref_slice %arg3[%add3A_68] : memref<640000xi32, #tpu.memory_space<hbm>> -> memref<80xi32, #tpu.memory_space<hbm>>
    %dma_start3A_75 = arith.constant 0 : i32
    %dma_start3A_76 = tpu.memref_slice %arg8[%dma_start3A_69, %dma_start3A_70, %dma_start3A_75] : memref<4x2x80xi32, #tpu.memory_space<vmem>> -> memref<1x1x80xi32, #tpu.memory_space<vmem>>
    %dma_start3A_77 = tpu.memref_squeeze %dma_start3A_76 : memref<1x1x80xi32, #tpu.memory_space<vmem>> -> memref<80xi32, #tpu.memory_space<vmem>>
    %dma_start3A_78 = tpu.memref_slice %arg3[%add3A_68] : memref<640000xi32, #tpu.memory_space<hbm>> -> memref<80xi32, #tpu.memory_space<hbm>>
    tpu.enqueue_dma source(%dma_start3A_78 : memref<80xi32, #tpu.memory_space<hbm>>) target(%dma_start3A_77 : memref<80xi32, #tpu.memory_space<vmem>>) target_semaphore(%arg12 : memref<!tpu.dma_semaphore, #tpu.memory_space<semaphore_mem>>)
    %add3A_79 = arith.constant 320000 : i32
    %add3A_80 = arith.addi %add3A_79, %add3A_68 : i32
    %dma_start3A_81 = arith.constant 2 : i32
    %dma_start3A_82 = arith.constant 1 : i32
    %dma_start3A_83 = arith.constant 0 : i32
    %dma_start3A_84 = tpu.memref_slice %arg8[%dma_start3A_81, %dma_start3A_82, %dma_start3A_83] : memref<4x2x80xi32, #tpu.memory_space<vmem>> -> memref<1x1x80xi32, #tpu.memory_space<vmem>>
    %dma_start3A_85 = tpu.memref_squeeze %dma_start3A_84 : memref<1x1x80xi32, #tpu.memory_space<vmem>> -> memref<80xi32, #tpu.memory_space<vmem>>
    %dma_start3A_86 = tpu.memref_slice %arg3[%add3A_80] : memref<640000xi32, #tpu.memory_space<hbm>> -> memref<80xi32, #tpu.memory_space<hbm>>
    %dma_start3A_87 = arith.constant 0 : i32
    %dma_start3A_88 = tpu.memref_slice %arg8[%dma_start3A_81, %dma_start3A_82, %dma_start3A_87] : memref<4x2x80xi32, #tpu.memory_space<vmem>> -> memref<1x1x80xi32, #tpu.memory_space<vmem>>
    %dma_start3A_89 = tpu.memref_squeeze %dma_start3A_88 : memref<1x1x80xi32, #tpu.memory_space<vmem>> -> memref<80xi32, #tpu.memory_space<vmem>>
    %dma_start3A_90 = tpu.memref_slice %arg3[%add3A_80] : memref<640000xi32, #tpu.memory_space<hbm>> -> memref<80xi32, #tpu.memory_space<hbm>>
    tpu.enqueue_dma source(%dma_start3A_90 : memref<80xi32, #tpu.memory_space<hbm>>) target(%dma_start3A_89 : memref<80xi32, #tpu.memory_space<vmem>>) target_semaphore(%arg12 : memref<!tpu.dma_semaphore, #tpu.memory_space<semaphore_mem>>)
    %mul3A_91 = arith.constant 640 : i32
    %mul3A_92 = arith.muli %arg1, %mul3A_91 : i32
    %add3A_93 = arith.constant 0 : i32
    %add3A_94 = arith.addi %mul3A_92, %add3A_93 : i32
    %dma_start3A_95 = arith.constant 2 : i32
    %dma_start3A_96 = arith.constant 0 : i32
    %dma_start3A_97 = arith.constant 0 : i32
    %dma_start3A_98 = tpu.memref_slice %arg9[%dma_start3A_95, %dma_start3A_96, %dma_start3A_97] : memref<3x80x128xf32, #tpu.memory_space<vmem>> -> memref<1x80x128xf32, #tpu.memory_space<vmem>>
    %dma_start3A_99 = tpu.memref_squeeze %dma_start3A_98 : memref<1x80x128xf32, #tpu.memory_space<vmem>> -> memref<80x128xf32, #tpu.memory_space<vmem>>
    %dma_start3A_100 = arith.constant 0 : i32
    %dma_start3A_101 = tpu.memref_slice %arg6[%add3A_94, %dma_start3A_100] : memref<10240x128xf32, #tpu.memory_space<vmem_shared>> -> memref<80x128xf32, #tpu.memory_space<vmem_shared>>
    %dma_start3A_102 = arith.constant 0 : i32
    %dma_start3A_103 = tpu.memref_slice %arg6[%add3A_94, %dma_start3A_102] : memref<10240x128xf32, #tpu.memory_space<vmem_shared>> -> memref<80x128xf32, #tpu.memory_space<vmem_shared>>
    %dma_start3A_104 = arith.constant 0 : i32
    %dma_start3A_105 = arith.constant 0 : i32
    %dma_start3A_106 = tpu.memref_slice %arg9[%dma_start3A_95, %dma_start3A_104, %dma_start3A_105] : memref<3x80x128xf32, #tpu.memory_space<vmem>> -> memref<1x80x128xf32, #tpu.memory_space<vmem>>
    %dma_start3A_107 = tpu.memref_squeeze %dma_start3A_106 : memref<1x80x128xf32, #tpu.memory_space<vmem>> -> memref<80x128xf32, #tpu.memory_space<vmem>>
    tpu.enqueue_dma source(%dma_start3A_107 : memref<80x128xf32, #tpu.memory_space<vmem>>) target(%dma_start3A_103 : memref<80x128xf32, #tpu.memory_space<vmem_shared>>) target_semaphore(%arg15 : memref<!tpu.dma_semaphore, #tpu.memory_space<semaphore_mem>>)
    %add3A_108 = arith.constant 80 : i32
    %add3A_109 = arith.addi %mul3A_92, %add3A_108 : i32
    %dma_start3A_110 = arith.constant 2 : i32
    %dma_start3A_111 = arith.constant 0 : i32
    %dma_start3A_112 = arith.constant 0 : i32
    %dma_start3A_113 = tpu.memref_slice %arg9[%dma_start3A_110, %dma_start3A_111, %dma_start3A_112] : memref<3x80x128xf32, #tpu.memory_space<vmem>> -> memref<1x80x128xf32, #tpu.memory_space<vmem>>
    %dma_start3A_114 = tpu.memref_squeeze %dma_start3A_113 : memref<1x80x128xf32, #tpu.memory_space<vmem>> -> memref<80x128xf32, #tpu.memory_space<vmem>>
    %dma_start3A_115 = arith.constant 0 : i32
    %dma_start3A_116 = tpu.memref_slice %arg6[%add3A_109, %dma_start3A_115] : memref<10240x128xf32, #tpu.memory_space<vmem_shared>> -> memref<80x128xf32, #tpu.memory_space<vmem_shared>>
    %dma_start3A_117 = arith.constant 0 : i32
    %dma_start3A_118 = tpu.memref_slice %arg6[%add3A_109, %dma_start3A_117] : memref<10240x128xf32, #tpu.memory_space<vmem_shared>> -> memref<80x128xf32, #tpu.memory_space<vmem_shared>>
    %dma_start3A_119 = arith.constant 0 : i32
    %dma_start3A_120 = arith.constant 0 : i32
    %dma_start3A_121 = tpu.memref_slice %arg9[%dma_start3A_110, %dma_start3A_119, %dma_start3A_120] : memref<3x80x128xf32, #tpu.memory_space<vmem>> -> memref<1x80x128xf32, #tpu.memory_space<vmem>>
    %dma_start3A_122 = tpu.memref_squeeze %dma_start3A_121 : memref<1x80x128xf32, #tpu.memory_space<vmem>> -> memref<80x128xf32, #tpu.memory_space<vmem>>
    tpu.enqueue_dma source(%dma_start3A_122 : memref<80x128xf32, #tpu.memory_space<vmem>>) target(%dma_start3A_118 : memref<80x128xf32, #tpu.memory_space<vmem_shared>>) target_semaphore(%arg15 : memref<!tpu.dma_semaphore, #tpu.memory_space<semaphore_mem>>)
    %add3A_123 = arith.constant 160 : i32
    %add3A_124 = arith.addi %mul3A_92, %add3A_123 : i32
    %dma_start3A_125 = arith.constant 2 : i32
    %dma_start3A_126 = arith.constant 0 : i32
    %dma_start3A_127 = arith.constant 0 : i32
    %dma_start3A_128 = tpu.memref_slice %arg9[%dma_start3A_125, %dma_start3A_126, %dma_start3A_127] : memref<3x80x128xf32, #tpu.memory_space<vmem>> -> memref<1x80x128xf32, #tpu.memory_space<vmem>>
    %dma_start3A_129 = tpu.memref_squeeze %dma_start3A_128 : memref<1x80x128xf32, #tpu.memory_space<vmem>> -> memref<80x128xf32, #tpu.memory_space<vmem>>
    %dma_start3A_130 = arith.constant 0 : i32
    %dma_start3A_131 = tpu.memref_slice %arg6[%add3A_124, %dma_start3A_130] : memref<10240x128xf32, #tpu.memory_space<vmem_shared>> -> memref<80x128xf32, #tpu.memory_space<vmem_shared>>
    %dma_start3A_132 = arith.constant 0 : i32
    %dma_start3A_133 = tpu.memref_slice %arg6[%add3A_124, %dma_start3A_132] : memref<10240x128xf32, #tpu.memory_space<vmem_shared>> -> memref<80x128xf32, #tpu.memory_space<vmem_shared>>
    %dma_start3A_134 = arith.constant 0 : i32
    %dma_start3A_135 = arith.constant 0 : i32
    %dma_start3A_136 = tpu.memref_slice %arg9[%dma_start3A_125, %dma_start3A_134, %dma_start3A_135] : memref<3x80x128xf32, #tpu.memory_space<vmem>> -> memref<1x80x128xf32, #tpu.memory_space<vmem>>
    %dma_start3A_137 = tpu.memref_squeeze %dma_start3A_136 : memref<1x80x128xf32, #tpu.memory_space<vmem>> -> memref<80x128xf32, #tpu.memory_space<vmem>>
    tpu.enqueue_dma source(%dma_start3A_137 : memref<80x128xf32, #tpu.memory_space<vmem>>) target(%dma_start3A_133 : memref<80x128xf32, #tpu.memory_space<vmem_shared>>) target_semaphore(%arg15 : memref<!tpu.dma_semaphore, #tpu.memory_space<semaphore_mem>>)
    %add3A_138 = arith.constant 240 : i32
    %add3A_139 = arith.addi %mul3A_92, %add3A_138 : i32
    %dma_start3A_140 = arith.constant 2 : i32
    %dma_start3A_141 = arith.constant 0 : i32
    %dma_start3A_142 = arith.constant 0 : i32
    %dma_start3A_143 = tpu.memref_slice %arg9[%dma_start3A_140, %dma_start3A_141, %dma_start3A_142] : memref<3x80x128xf32, #tpu.memory_space<vmem>> -> memref<1x80x128xf32, #tpu.memory_space<vmem>>
    %dma_start3A_144 = tpu.memref_squeeze %dma_start3A_143 : memref<1x80x128xf32, #tpu.memory_space<vmem>> -> memref<80x128xf32, #tpu.memory_space<vmem>>
    %dma_start3A_145 = arith.constant 0 : i32
    %dma_start3A_146 = tpu.memref_slice %arg6[%add3A_139, %dma_start3A_145] : memref<10240x128xf32, #tpu.memory_space<vmem_shared>> -> memref<80x128xf32, #tpu.memory_space<vmem_shared>>
    %dma_start3A_147 = arith.constant 0 : i32
    %dma_start3A_148 = tpu.memref_slice %arg6[%add3A_139, %dma_start3A_147] : memref<10240x128xf32, #tpu.memory_space<vmem_shared>> -> memref<80x128xf32, #tpu.memory_space<vmem_shared>>
    %dma_start3A_149 = arith.constant 0 : i32
    %dma_start3A_150 = arith.constant 0 : i32
    %dma_start3A_151 = tpu.memref_slice %arg9[%dma_start3A_140, %dma_start3A_149, %dma_start3A_150] : memref<3x80x128xf32, #tpu.memory_space<vmem>> -> memref<1x80x128xf32, #tpu.memory_space<vmem>>
    %dma_start3A_152 = tpu.memref_squeeze %dma_start3A_151 : memref<1x80x128xf32, #tpu.memory_space<vmem>> -> memref<80x128xf32, #tpu.memory_space<vmem>>
    tpu.enqueue_dma source(%dma_start3A_152 : memref<80x128xf32, #tpu.memory_space<vmem>>) target(%dma_start3A_148 : memref<80x128xf32, #tpu.memory_space<vmem_shared>>) target_semaphore(%arg15 : memref<!tpu.dma_semaphore, #tpu.memory_space<semaphore_mem>>)
    %add3A_153 = arith.constant 320 : i32
    %add3A_154 = arith.addi %mul3A_92, %add3A_153 : i32
    %dma_start3A_155 = arith.constant 2 : i32
    %dma_start3A_156 = arith.constant 0 : i32
    %dma_start3A_157 = arith.constant 0 : i32
    %dma_start3A_158 = tpu.memref_slice %arg9[%dma_start3A_155, %dma_start3A_156, %dma_start3A_157] : memref<3x80x128xf32, #tpu.memory_space<vmem>> -> memref<1x80x128xf32, #tpu.memory_space<vmem>>
    %dma_start3A_159 = tpu.memref_squeeze %dma_start3A_158 : memref<1x80x128xf32, #tpu.memory_space<vmem>> -> memref<80x128xf32, #tpu.memory_space<vmem>>
    %dma_start3A_160 = arith.constant 0 : i32
    %dma_start3A_161 = tpu.memref_slice %arg6[%add3A_154, %dma_start3A_160] : memref<10240x128xf32, #tpu.memory_space<vmem_shared>> -> memref<80x128xf32, #tpu.memory_space<vmem_shared>>
    %dma_start3A_162 = arith.constant 0 : i32
    %dma_start3A_163 = tpu.memref_slice %arg6[%add3A_154, %dma_start3A_162] : memref<10240x128xf32, #tpu.memory_space<vmem_shared>> -> memref<80x128xf32, #tpu.memory_space<vmem_shared>>
    %dma_start3A_164 = arith.constant 0 : i32
    %dma_start3A_165 = arith.constant 0 : i32
    %dma_start3A_166 = tpu.memref_slice %arg9[%dma_start3A_155, %dma_start3A_164, %dma_start3A_165] : memref<3x80x128xf32, #tpu.memory_space<vmem>> -> memref<1x80x128xf32, #tpu.memory_space<vmem>>
    %dma_start3A_167 = tpu.memref_squeeze %dma_start3A_166 : memref<1x80x128xf32, #tpu.memory_space<vmem>> -> memref<80x128xf32, #tpu.memory_space<vmem>>
    tpu.enqueue_dma source(%dma_start3A_167 : memref<80x128xf32, #tpu.memory_space<vmem>>) target(%dma_start3A_163 : memref<80x128xf32, #tpu.memory_space<vmem_shared>>) target_semaphore(%arg15 : memref<!tpu.dma_semaphore, #tpu.memory_space<semaphore_mem>>)
    %add3A_168 = arith.constant 400 : i32
    %add3A_169 = arith.addi %mul3A_92, %add3A_168 : i32
    %dma_start3A_170 = arith.constant 2 : i32
    %dma_start3A_171 = arith.constant 0 : i32
    %dma_start3A_172 = arith.constant 0 : i32
    %dma_start3A_173 = tpu.memref_slice %arg9[%dma_start3A_170, %dma_start3A_171, %dma_start3A_172] : memref<3x80x128xf32, #tpu.memory_space<vmem>> -> memref<1x80x128xf32, #tpu.memory_space<vmem>>
    %dma_start3A_174 = tpu.memref_squeeze %dma_start3A_173 : memref<1x80x128xf32, #tpu.memory_space<vmem>> -> memref<80x128xf32, #tpu.memory_space<vmem>>
    %dma_start3A_175 = arith.constant 0 : i32
    %dma_start3A_176 = tpu.memref_slice %arg6[%add3A_169, %dma_start3A_175] : memref<10240x128xf32, #tpu.memory_space<vmem_shared>> -> memref<80x128xf32, #tpu.memory_space<vmem_shared>>
    %dma_start3A_177 = arith.constant 0 : i32
    %dma_start3A_178 = tpu.memref_slice %arg6[%add3A_169, %dma_start3A_177] : memref<10240x128xf32, #tpu.memory_space<vmem_shared>> -> memref<80x128xf32, #tpu.memory_space<vmem_shared>>
    %dma_start3A_179 = arith.constant 0 : i32
    %dma_start3A_180 = arith.constant 0 : i32
    %dma_start3A_181 = tpu.memref_slice %arg9[%dma_start3A_170, %dma_start3A_179, %dma_start3A_180] : memref<3x80x128xf32, #tpu.memory_space<vmem>> -> memref<1x80x128xf32, #tpu.memory_space<vmem>>
    %dma_start3A_182 = tpu.memref_squeeze %dma_start3A_181 : memref<1x80x128xf32, #tpu.memory_space<vmem>> -> memref<80x128xf32, #tpu.memory_space<vmem>>
    tpu.enqueue_dma source(%dma_start3A_182 : memref<80x128xf32, #tpu.memory_space<vmem>>) target(%dma_start3A_178 : memref<80x128xf32, #tpu.memory_space<vmem_shared>>) target_semaphore(%arg15 : memref<!tpu.dma_semaphore, #tpu.memory_space<semaphore_mem>>)
    %add3A_183 = arith.constant 480 : i32
    %add3A_184 = arith.addi %mul3A_92, %add3A_183 : i32
    %dma_start3A_185 = arith.constant 2 : i32
    %dma_start3A_186 = arith.constant 0 : i32
    %dma_start3A_187 = arith.constant 0 : i32
    %dma_start3A_188 = tpu.memref_slice %arg9[%dma_start3A_185, %dma_start3A_186, %dma_start3A_187] : memref<3x80x128xf32, #tpu.memory_space<vmem>> -> memref<1x80x128xf32, #tpu.memory_space<vmem>>
    %dma_start3A_189 = tpu.memref_squeeze %dma_start3A_188 : memref<1x80x128xf32, #tpu.memory_space<vmem>> -> memref<80x128xf32, #tpu.memory_space<vmem>>
    %dma_start3A_190 = arith.constant 0 : i32
    %dma_start3A_191 = tpu.memref_slice %arg6[%add3A_184, %dma_start3A_190] : memref<10240x128xf32, #tpu.memory_space<vmem_shared>> -> memref<80x128xf32, #tpu.memory_space<vmem_shared>>
    %dma_start3A_192 = arith.constant 0 : i32
    %dma_start3A_193 = tpu.memref_slice %arg6[%add3A_184, %dma_start3A_192] : memref<10240x128xf32, #tpu.memory_space<vmem_shared>> -> memref<80x128xf32, #tpu.memory_space<vmem_shared>>
    %dma_start3A_194 = arith.constant 0 : i32
    %dma_start3A_195 = arith.constant 0 : i32
    %dma_start3A_196 = tpu.memref_slice %arg9[%dma_start3A_185, %dma_start3A_194, %dma_start3A_195] : memref<3x80x128xf32, #tpu.memory_space<vmem>> -> memref<1x80x128xf32, #tpu.memory_space<vmem>>
    %dma_start3A_197 = tpu.memref_squeeze %dma_start3A_196 : memref<1x80x128xf32, #tpu.memory_space<vmem>> -> memref<80x128xf32, #tpu.memory_space<vmem>>
    tpu.enqueue_dma source(%dma_start3A_197 : memref<80x128xf32, #tpu.memory_space<vmem>>) target(%dma_start3A_193 : memref<80x128xf32, #tpu.memory_space<vmem_shared>>) target_semaphore(%arg15 : memref<!tpu.dma_semaphore, #tpu.memory_space<semaphore_mem>>)
    %add3A_198 = arith.constant 560 : i32
    %add3A_199 = arith.addi %mul3A_92, %add3A_198 : i32
    %dma_start3A_200 = arith.constant 2 : i32
    %dma_start3A_201 = arith.constant 0 : i32
    %dma_start3A_202 = arith.constant 0 : i32
    %dma_start3A_203 = tpu.memref_slice %arg9[%dma_start3A_200, %dma_start3A_201, %dma_start3A_202] : memref<3x80x128xf32, #tpu.memory_space<vmem>> -> memref<1x80x128xf32, #tpu.memory_space<vmem>>
    %dma_start3A_204 = tpu.memref_squeeze %dma_start3A_203 : memref<1x80x128xf32, #tpu.memory_space<vmem>> -> memref<80x128xf32, #tpu.memory_space<vmem>>
    %dma_start3A_205 = arith.constant 0 : i32
    %dma_start3A_206 = tpu.memref_slice %arg6[%add3A_199, %dma_start3A_205] : memref<10240x128xf32, #tpu.memory_space<vmem_shared>> -> memref<80x128xf32, #tpu.memory_space<vmem_shared>>
    %dma_start3A_207 = arith.constant 0 : i32
    %dma_start3A_208 = tpu.memref_slice %arg6[%add3A_199, %dma_start3A_207] : memref<10240x128xf32, #tpu.memory_space<vmem_shared>> -> memref<80x128xf32, #tpu.memory_space<vmem_shared>>
    %dma_start3A_209 = arith.constant 0 : i32
    %dma_start3A_210 = arith.constant 0 : i32
    %dma_start3A_211 = tpu.memref_slice %arg9[%dma_start3A_200, %dma_start3A_209, %dma_start3A_210] : memref<3x80x128xf32, #tpu.memory_space<vmem>> -> memref<1x80x128xf32, #tpu.memory_space<vmem>>
    %dma_start3A_212 = tpu.memref_squeeze %dma_start3A_211 : memref<1x80x128xf32, #tpu.memory_space<vmem>> -> memref<80x128xf32, #tpu.memory_space<vmem>>
    tpu.enqueue_dma source(%dma_start3A_212 : memref<80x128xf32, #tpu.memory_space<vmem>>) target(%dma_start3A_208 : memref<80x128xf32, #tpu.memory_space<vmem_shared>>) target_semaphore(%arg15 : memref<!tpu.dma_semaphore, #tpu.memory_space<semaphore_mem>>)
    %dma_start3A_213 = tpu.memref_slice %arg7[%mul3A_92] : memref<10240xf32, #tpu.memory_space<vmem_shared>> -> memref<640xf32, #tpu.memory_space<vmem_shared>>
    %dma_start3A_214 = tpu.memref_slice %arg7[%mul3A_92] : memref<10240xf32, #tpu.memory_space<vmem_shared>> -> memref<640xf32, #tpu.memory_space<vmem_shared>>
    tpu.enqueue_dma source(%arg11 : memref<640xf32, #tpu.memory_space<vmem>>) target(%dma_start3A_214 : memref<640xf32, #tpu.memory_space<vmem_shared>>) target_semaphore(%arg15 : memref<!tpu.dma_semaphore, #tpu.memory_space<semaphore_mem>>)
    %dma_wait3A = arith.constant 0 : i32
    %dma_wait3A_215 = arith.constant 0 : i32
    %dma_wait3A_216 = arith.constant 0 : i32
    %dma_wait3A_217 = tpu.memref_slice %arg8[%dma_wait3A, %dma_wait3A_215, %dma_wait3A_216] : memref<4x2x80xi32, #tpu.memory_space<vmem>> -> memref<1x1x80xi32, #tpu.memory_space<vmem>>
    %dma_wait3A_218 = tpu.memref_squeeze %dma_wait3A_217 : memref<1x1x80xi32, #tpu.memory_space<vmem>> -> memref<80xi32, #tpu.memory_space<vmem>>
    %dma_wait3A_219 = arith.constant 0 : i32
    %dma_wait3A_220 = tpu.memref_slice %arg3[%dma_wait3A_219] : memref<640000xi32, #tpu.memory_space<hbm>> -> memref<80xi32, #tpu.memory_space<hbm>>
    %dma_wait3A_221 = arith.constant 0 : i32
    %dma_wait3A_222 = tpu.memref_slice %arg8[%dma_wait3A, %dma_wait3A_215, %dma_wait3A_221] : memref<4x2x80xi32, #tpu.memory_space<vmem>> -> memref<1x1x80xi32, #tpu.memory_space<vmem>>
    %dma_wait3A_223 = tpu.memref_squeeze %dma_wait3A_222 : memref<1x1x80xi32, #tpu.memory_space<vmem>> -> memref<80xi32, #tpu.memory_space<vmem>>
    %dma_wait3A_224 = arith.constant 0 : i32
    %dma_wait3A_225 = tpu.memref_slice %arg3[%dma_wait3A_224] : memref<640000xi32, #tpu.memory_space<hbm>> -> memref<80xi32, #tpu.memory_space<hbm>>
    tpu.wait_dma2 semaphore(%arg12 : memref<!tpu.dma_semaphore, #tpu.memory_space<semaphore_mem>>) src(%dma_wait3A_225 : memref<80xi32, #tpu.memory_space<hbm>>) dst(%dma_wait3A_223 : memref<80xi32, #tpu.memory_space<vmem>>)
    %dma_wait3A_226 = arith.constant 0 : i32
    %dma_wait3A_227 = arith.constant 1 : i32
    %dma_wait3A_228 = arith.constant 0 : i32
    %dma_wait3A_229 = tpu.memref_slice %arg8[%dma_wait3A_226, %dma_wait3A_227, %dma_wait3A_228] : memref<4x2x80xi32, #tpu.memory_space<vmem>> -> memref<1x1x80xi32, #tpu.memory_space<vmem>>
    %dma_wait3A_230 = tpu.memref_squeeze %dma_wait3A_229 : memref<1x1x80xi32, #tpu.memory_space<vmem>> -> memref<80xi32, #tpu.memory_space<vmem>>
    %dma_wait3A_231 = arith.constant 0 : i32
    %dma_wait3A_232 = tpu.memref_slice %arg3[%dma_wait3A_231] : memref<640000xi32, #tpu.memory_space<hbm>> -> memref<80xi32, #tpu.memory_space<hbm>>
    %dma_wait3A_233 = arith.constant 0 : i32
    %dma_wait3A_234 = tpu.memref_slice %arg8[%dma_wait3A_226, %dma_wait3A_227, %dma_wait3A_233] : memref<4x2x80xi32, #tpu.memory_space<vmem>> -> memref<1x1x80xi32, #tpu.memory_space<vmem>>
    %dma_wait3A_235 = tpu.memref_squeeze %dma_wait3A_234 : memref<1x1x80xi32, #tpu.memory_space<vmem>> -> memref<80xi32, #tpu.memory_space<vmem>>
    %dma_wait3A_236 = arith.constant 0 : i32
    %dma_wait3A_237 = tpu.memref_slice %arg3[%dma_wait3A_236] : memref<640000xi32, #tpu.memory_space<hbm>> -> memref<80xi32, #tpu.memory_space<hbm>>
    tpu.wait_dma2 semaphore(%arg12 : memref<!tpu.dma_semaphore, #tpu.memory_space<semaphore_mem>>) src(%dma_wait3A_237 : memref<80xi32, #tpu.memory_space<hbm>>) dst(%dma_wait3A_235 : memref<80xi32, #tpu.memory_space<vmem>>)
    %dma_start3A_238 = arith.constant 0 : i32
    %dma_start3A_239 = arith.constant 0 : i32
    %dma_start3A_240 = arith.constant 0 : i32
    %dma_start3A_241 = arith.constant 0 : i32
    %dma_start3A_242 = arith.constant 0 : i32
    %dma_start3A_243 = tpu.memref_slice %arg9[%dma_start3A_240, %dma_start3A_241, %dma_start3A_242] : memref<3x80x128xf32, #tpu.memory_space<vmem>> -> memref<1x80x128xf32, #tpu.memory_space<vmem>>
    %dma_start3A_244 = tpu.memref_squeeze %dma_start3A_243 : memref<1x80x128xf32, #tpu.memory_space<vmem>> -> memref<80x128xf32, #tpu.memory_space<vmem>>
    %dma_start3A_245 = arith.constant 0 : i32
    %dma_start3A_246 = tpu.memref_slice %arg8[%dma_start3A_238, %dma_start3A_239, %dma_start3A_245] : memref<4x2x80xi32, #tpu.memory_space<vmem>> -> memref<1x1x80xi32, #tpu.memory_space<vmem>>
    %dma_start3A_247 = tpu.memref_squeeze %dma_start3A_246 : memref<1x1x80xi32, #tpu.memory_space<vmem>> -> memref<80xi32, #tpu.memory_space<vmem>>
    %dma_start3A_248 = arith.constant 0 : i32
    %dma_start3A_249 = arith.constant 0 : i32
    %dma_start3A_250 = tpu.memref_slice %arg2[%dma_start3A_248, %dma_start3A_249] : memref<10000x128xf32, #tpu.memory_space<hbm>> -> memref<10000x128xf32, #tpu.memory_space<hbm>>
    tpu.enqueue_indirect_dma source(%dma_start3A_250 : memref<10000x128xf32, #tpu.memory_space<hbm>>) target(%dma_start3A_244 : memref<80x128xf32, #tpu.memory_space<vmem>>) offsets(%dma_start3A_247 : memref<80xi32, #tpu.memory_space<vmem>>) semaphore(%arg13 : memref<!tpu.dma_semaphore, #tpu.memory_space<semaphore_mem>>)
    %dma_wait3A_251 = arith.constant 0 : i32
    %dma_wait3A_252 = arith.constant 0 : i32
    %dma_wait3A_253 = arith.constant 0 : i32
    %dma_wait3A_254 = tpu.memref_slice %arg8[%dma_wait3A_251, %dma_wait3A_252, %dma_wait3A_253] : memref<4x2x80xi32, #tpu.memory_space<vmem>> -> memref<1x1x80xi32, #tpu.memory_space<vmem>>
    %dma_wait3A_255 = tpu.memref_squeeze %dma_wait3A_254 : memref<1x1x80xi32, #tpu.memory_space<vmem>> -> memref<80xi32, #tpu.memory_space<vmem>>
    %dma_wait3A_256 = arith.constant 0 : i32
    %dma_wait3A_257 = tpu.memref_slice %arg3[%dma_wait3A_256] : memref<640000xi32, #tpu.memory_space<hbm>> -> memref<80xi32, #tpu.memory_space<hbm>>
    %dma_wait3A_258 = arith.constant 0 : i32
    %dma_wait3A_259 = tpu.memref_slice %arg8[%dma_wait3A_251, %dma_wait3A_252, %dma_wait3A_258] : memref<4x2x80xi32, #tpu.memory_space<vmem>> -> memref<1x1x80xi32, #tpu.memory_space<vmem>>
    %dma_wait3A_260 = tpu.memref_squeeze %dma_wait3A_259 : memref<1x1x80xi32, #tpu.memory_space<vmem>> -> memref<80xi32, #tpu.memory_space<vmem>>
    %dma_wait3A_261 = arith.constant 0 : i32
    %dma_wait3A_262 = tpu.memref_slice %arg3[%dma_wait3A_261] : memref<640000xi32, #tpu.memory_space<hbm>> -> memref<80xi32, #tpu.memory_space<hbm>>
    tpu.wait_dma2 semaphore(%arg12 : memref<!tpu.dma_semaphore, #tpu.memory_space<semaphore_mem>>) src(%dma_wait3A_262 : memref<80xi32, #tpu.memory_space<hbm>>) dst(%dma_wait3A_260 : memref<80xi32, #tpu.memory_space<vmem>>)
    %dma_wait3A_263 = arith.constant 0 : i32
    %dma_wait3A_264 = arith.constant 1 : i32
    %dma_wait3A_265 = arith.constant 0 : i32
    %dma_wait3A_266 = tpu.memref_slice %arg8[%dma_wait3A_263, %dma_wait3A_264, %dma_wait3A_265] : memref<4x2x80xi32, #tpu.memory_space<vmem>> -> memref<1x1x80xi32, #tpu.memory_space<vmem>>
    %dma_wait3A_267 = tpu.memref_squeeze %dma_wait3A_266 : memref<1x1x80xi32, #tpu.memory_space<vmem>> -> memref<80xi32, #tpu.memory_space<vmem>>
    %dma_wait3A_268 = arith.constant 0 : i32
    %dma_wait3A_269 = tpu.memref_slice %arg3[%dma_wait3A_268] : memref<640000xi32, #tpu.memory_space<hbm>> -> memref<80xi32, #tpu.memory_space<hbm>>
    %dma_wait3A_270 = arith.constant 0 : i32
    %dma_wait3A_271 = tpu.memref_slice %arg8[%dma_wait3A_263, %dma_wait3A_264, %dma_wait3A_270] : memref<4x2x80xi32, #tpu.memory_space<vmem>> -> memref<1x1x80xi32, #tpu.memory_space<vmem>>
    %dma_wait3A_272 = tpu.memref_squeeze %dma_wait3A_271 : memref<1x1x80xi32, #tpu.memory_space<vmem>> -> memref<80xi32, #tpu.memory_space<vmem>>
    %dma_wait3A_273 = arith.constant 0 : i32
    %dma_wait3A_274 = tpu.memref_slice %arg3[%dma_wait3A_273] : memref<640000xi32, #tpu.memory_space<hbm>> -> memref<80xi32, #tpu.memory_space<hbm>>
    tpu.wait_dma2 semaphore(%arg12 : memref<!tpu.dma_semaphore, #tpu.memory_space<semaphore_mem>>) src(%dma_wait3A_274 : memref<80xi32, #tpu.memory_space<hbm>>) dst(%dma_wait3A_272 : memref<80xi32, #tpu.memory_space<vmem>>)
    %dma_start3A_275 = arith.constant 1 : i32
    %dma_start3A_276 = arith.constant 0 : i32
    %dma_start3A_277 = arith.constant 1 : i32
    %dma_start3A_278 = arith.constant 0 : i32
    %dma_start3A_279 = arith.constant 0 : i32
    %dma_start3A_280 = tpu.memref_slice %arg9[%dma_start3A_277, %dma_start3A_278, %dma_start3A_279] : memref<3x80x128xf32, #tpu.memory_space<vmem>> -> memref<1x80x128xf32, #tpu.memory_space<vmem>>
    %dma_start3A_281 = tpu.memref_squeeze %dma_start3A_280 : memref<1x80x128xf32, #tpu.memory_space<vmem>> -> memref<80x128xf32, #tpu.memory_space<vmem>>
    %dma_start3A_282 = arith.constant 0 : i32
    %dma_start3A_283 = tpu.memref_slice %arg8[%dma_start3A_275, %dma_start3A_276, %dma_start3A_282] : memref<4x2x80xi32, #tpu.memory_space<vmem>> -> memref<1x1x80xi32, #tpu.memory_space<vmem>>
    %dma_start3A_284 = tpu.memref_squeeze %dma_start3A_283 : memref<1x1x80xi32, #tpu.memory_space<vmem>> -> memref<80xi32, #tpu.memory_space<vmem>>
    %dma_start3A_285 = arith.constant 0 : i32
    %dma_start3A_286 = arith.constant 0 : i32
    %dma_start3A_287 = tpu.memref_slice %arg2[%dma_start3A_285, %dma_start3A_286] : memref<10000x128xf32, #tpu.memory_space<hbm>> -> memref<10000x128xf32, #tpu.memory_space<hbm>>
    tpu.enqueue_indirect_dma source(%dma_start3A_287 : memref<10000x128xf32, #tpu.memory_space<hbm>>) target(%dma_start3A_281 : memref<80x128xf32, #tpu.memory_space<vmem>>) offsets(%dma_start3A_284 : memref<80xi32, #tpu.memory_space<vmem>>) semaphore(%arg13 : memref<!tpu.dma_semaphore, #tpu.memory_space<semaphore_mem>>)
    %dma_wait3A_288 = arith.constant 2 : i32
    %dma_wait3A_289 = arith.constant 0 : i32
    %dma_wait3A_290 = arith.constant 0 : i32
    %dma_wait3A_291 = tpu.memref_slice %arg9[%dma_wait3A_288, %dma_wait3A_289, %dma_wait3A_290] : memref<3x80x128xf32, #tpu.memory_space<vmem>> -> memref<1x80x128xf32, #tpu.memory_space<vmem>>
    %dma_wait3A_292 = tpu.memref_squeeze %dma_wait3A_291 : memref<1x80x128xf32, #tpu.memory_space<vmem>> -> memref<80x128xf32, #tpu.memory_space<vmem>>
    %dma_wait3A_293 = arith.constant 0 : i32
    %dma_wait3A_294 = arith.constant 0 : i32
    %dma_wait3A_295 = tpu.memref_slice %arg6[%dma_wait3A_293, %dma_wait3A_294] : memref<10240x128xf32, #tpu.memory_space<vmem_shared>> -> memref<80x128xf32, #tpu.memory_space<vmem_shared>>
    %dma_wait3A_296 = arith.constant 0 : i32
    %dma_wait3A_297 = arith.constant 0 : i32
    %dma_wait3A_298 = tpu.memref_slice %arg6[%dma_wait3A_296, %dma_wait3A_297] : memref<10240x128xf32, #tpu.memory_space<vmem_shared>> -> memref<80x128xf32, #tpu.memory_space<vmem_shared>>
    %dma_wait3A_299 = arith.constant 0 : i32
    %dma_wait3A_300 = arith.constant 0 : i32
    %dma_wait3A_301 = tpu.memref_slice %arg9[%dma_wait3A_288, %dma_wait3A_299, %dma_wait3A_300] : memref<3x80x128xf32, #tpu.memory_space<vmem>> -> memref<1x80x128xf32, #tpu.memory_space<vmem>>
    %dma_wait3A_302 = tpu.memref_squeeze %dma_wait3A_301 : memref<1x80x128xf32, #tpu.memory_space<vmem>> -> memref<80x128xf32, #tpu.memory_space<vmem>>
    tpu.wait_dma2 semaphore(%arg15 : memref<!tpu.dma_semaphore, #tpu.memory_space<semaphore_mem>>) src(%dma_wait3A_302 : memref<80x128xf32, #tpu.memory_space<vmem>>) dst(%dma_wait3A_298 : memref<80x128xf32, #tpu.memory_space<vmem_shared>>)
    %dma_wait3A_303 = arith.constant 2 : i32
    %dma_wait3A_304 = arith.constant 0 : i32
    %dma_wait3A_305 = arith.constant 0 : i32
    %dma_wait3A_306 = tpu.memref_slice %arg9[%dma_wait3A_303, %dma_wait3A_304, %dma_wait3A_305] : memref<3x80x128xf32, #tpu.memory_space<vmem>> -> memref<1x80x128xf32, #tpu.memory_space<vmem>>
    %dma_wait3A_307 = tpu.memref_squeeze %dma_wait3A_306 : memref<1x80x128xf32, #tpu.memory_space<vmem>> -> memref<80x128xf32, #tpu.memory_space<vmem>>
    %dma_wait3A_308 = arith.constant 0 : i32
    %dma_wait3A_309 = arith.constant 0 : i32
    %dma_wait3A_310 = tpu.memref_slice %arg6[%dma_wait3A_308, %dma_wait3A_309] : memref<10240x128xf32, #tpu.memory_space<vmem_shared>> -> memref<80x128xf32, #tpu.memory_space<vmem_shared>>
    %dma_wait3A_311 = arith.constant 0 : i32
    %dma_wait3A_312 = arith.constant 0 : i32
    %dma_wait3A_313 = tpu.memref_slice %arg6[%dma_wait3A_311, %dma_wait3A_312] : memref<10240x128xf32, #tpu.memory_space<vmem_shared>> -> memref<80x128xf32, #tpu.memory_space<vmem_shared>>
    %dma_wait3A_314 = arith.constant 0 : i32
    %dma_wait3A_315 = arith.constant 0 : i32
    %dma_wait3A_316 = tpu.memref_slice %arg9[%dma_wait3A_303, %dma_wait3A_314, %dma_wait3A_315] : memref<3x80x128xf32, #tpu.memory_space<vmem>> -> memref<1x80x128xf32, #tpu.memory_space<vmem>>
    %dma_wait3A_317 = tpu.memref_squeeze %dma_wait3A_316 : memref<1x80x128xf32, #tpu.memory_space<vmem>> -> memref<80x128xf32, #tpu.memory_space<vmem>>
    tpu.wait_dma2 semaphore(%arg15 : memref<!tpu.dma_semaphore, #tpu.memory_space<semaphore_mem>>) src(%dma_wait3A_317 : memref<80x128xf32, #tpu.memory_space<vmem>>) dst(%dma_wait3A_313 : memref<80x128xf32, #tpu.memory_space<vmem_shared>>)
    %dma_wait3A_318 = arith.constant 2 : i32
    %dma_wait3A_319 = arith.constant 0 : i32
    %dma_wait3A_320 = arith.constant 0 : i32
    %dma_wait3A_321 = tpu.memref_slice %arg9[%dma_wait3A_318, %dma_wait3A_319, %dma_wait3A_320] : memref<3x80x128xf32, #tpu.memory_space<vmem>> -> memref<1x80x128xf32, #tpu.memory_space<vmem>>
    %dma_wait3A_322 = tpu.memref_squeeze %dma_wait3A_321 : memref<1x80x128xf32, #tpu.memory_space<vmem>> -> memref<80x128xf32, #tpu.memory_space<vmem>>
    %dma_wait3A_323 = arith.constant 0 : i32
    %dma_wait3A_324 = arith.constant 0 : i32
    %dma_wait3A_325 = tpu.memref_slice %arg6[%dma_wait3A_323, %dma_wait3A_324] : memref<10240x128xf32, #tpu.memory_space<vmem_shared>> -> memref<80x128xf32, #tpu.memory_space<vmem_shared>>
    %dma_wait3A_326 = arith.constant 0 : i32
    %dma_wait3A_327 = arith.constant 0 : i32
    %dma_wait3A_328 = tpu.memref_slice %arg6[%dma_wait3A_326, %dma_wait3A_327] : memref<10240x128xf32, #tpu.memory_space<vmem_shared>> -> memref<80x128xf32, #tpu.memory_space<vmem_shared>>
    %dma_wait3A_329 = arith.constant 0 : i32
    %dma_wait3A_330 = arith.constant 0 : i32
    %dma_wait3A_331 = tpu.memref_slice %arg9[%dma_wait3A_318, %dma_wait3A_329, %dma_wait3A_330] : memref<3x80x128xf32, #tpu.memory_space<vmem>> -> memref<1x80x128xf32, #tpu.memory_space<vmem>>
    %dma_wait3A_332 = tpu.memref_squeeze %dma_wait3A_331 : memref<1x80x128xf32, #tpu.memory_space<vmem>> -> memref<80x128xf32, #tpu.memory_space<vmem>>
    tpu.wait_dma2 semaphore(%arg15 : memref<!tpu.dma_semaphore, #tpu.memory_space<semaphore_mem>>) src(%dma_wait3A_332 : memref<80x128xf32, #tpu.memory_space<vmem>>) dst(%dma_wait3A_328 : memref<80x128xf32, #tpu.memory_space<vmem_shared>>)
    %dma_wait3A_333 = arith.constant 2 : i32
    %dma_wait3A_334 = arith.constant 0 : i32
    %dma_wait3A_335 = arith.constant 0 : i32
    %dma_wait3A_336 = tpu.memref_slice %arg9[%dma_wait3A_333, %dma_wait3A_334, %dma_wait3A_335] : memref<3x80x128xf32, #tpu.memory_space<vmem>> -> memref<1x80x128xf32, #tpu.memory_space<vmem>>
    %dma_wait3A_337 = tpu.memref_squeeze %dma_wait3A_336 : memref<1x80x128xf32, #tpu.memory_space<vmem>> -> memref<80x128xf32, #tpu.memory_space<vmem>>
    %dma_wait3A_338 = arith.constant 0 : i32
    %dma_wait3A_339 = arith.constant 0 : i32
    %dma_wait3A_340 = tpu.memref_slice %arg6[%dma_wait3A_338, %dma_wait3A_339] : memref<10240x128xf32, #tpu.memory_space<vmem_shared>> -> memref<80x128xf32, #tpu.memory_space<vmem_shared>>
    %dma_wait3A_341 = arith.constant 0 : i32
    %dma_wait3A_342 = arith.constant 0 : i32
    %dma_wait3A_343 = tpu.memref_slice %arg6[%dma_wait3A_341, %dma_wait3A_342] : memref<10240x128xf32, #tpu.memory_space<vmem_shared>> -> memref<80x128xf32, #tpu.memory_space<vmem_shared>>
    %dma_wait3A_344 = arith.constant 0 : i32
    %dma_wait3A_345 = arith.constant 0 : i32
    %dma_wait3A_346 = tpu.memref_slice %arg9[%dma_wait3A_333, %dma_wait3A_344, %dma_wait3A_345] : memref<3x80x128xf32, #tpu.memory_space<vmem>> -> memref<1x80x128xf32, #tpu.memory_space<vmem>>
    %dma_wait3A_347 = tpu.memref_squeeze %dma_wait3A_346 : memref<1x80x128xf32, #tpu.memory_space<vmem>> -> memref<80x128xf32, #tpu.memory_space<vmem>>
    tpu.wait_dma2 semaphore(%arg15 : memref<!tpu.dma_semaphore, #tpu.memory_space<semaphore_mem>>) src(%dma_wait3A_347 : memref<80x128xf32, #tpu.memory_space<vmem>>) dst(%dma_wait3A_343 : memref<80x128xf32, #tpu.memory_space<vmem_shared>>)
    %dma_wait3A_348 = arith.constant 2 : i32
    %dma_wait3A_349 = arith.constant 0 : i32
    %dma_wait3A_350 = arith.constant 0 : i32
    %dma_wait3A_351 = tpu.memref_slice %arg9[%dma_wait3A_348, %dma_wait3A_349, %dma_wait3A_350] : memref<3x80x128xf32, #tpu.memory_space<vmem>> -> memref<1x80x128xf32, #tpu.memory_space<vmem>>
    %dma_wait3A_352 = tpu.memref_squeeze %dma_wait3A_351 : memref<1x80x128xf32, #tpu.memory_space<vmem>> -> memref<80x128xf32, #tpu.memory_space<vmem>>
    %dma_wait3A_353 = arith.constant 0 : i32
    %dma_wait3A_354 = arith.constant 0 : i32
    %dma_wait3A_355 = tpu.memref_slice %arg6[%dma_wait3A_353, %dma_wait3A_354] : memref<10240x128xf32, #tpu.memory_space<vmem_shared>> -> memref<80x128xf32, #tpu.memory_space<vmem_shared>>
    %dma_wait3A_356 = arith.constant 0 : i32
    %dma_wait3A_357 = arith.constant 0 : i32
    %dma_wait3A_358 = tpu.memref_slice %arg6[%dma_wait3A_356, %dma_wait3A_357] : memref<10240x128xf32, #tpu.memory_space<vmem_shared>> -> memref<80x128xf32, #tpu.memory_space<vmem_shared>>
    %dma_wait3A_359 = arith.constant 0 : i32
    %dma_wait3A_360 = arith.constant 0 : i32
    %dma_wait3A_361 = tpu.memref_slice %arg9[%dma_wait3A_348, %dma_wait3A_359, %dma_wait3A_360] : memref<3x80x128xf32, #tpu.memory_space<vmem>> -> memref<1x80x128xf32, #tpu.memory_space<vmem>>
    %dma_wait3A_362 = tpu.memref_squeeze %dma_wait3A_361 : memref<1x80x128xf32, #tpu.memory_space<vmem>> -> memref<80x128xf32, #tpu.memory_space<vmem>>
    tpu.wait_dma2 semaphore(%arg15 : memref<!tpu.dma_semaphore, #tpu.memory_space<semaphore_mem>>) src(%dma_wait3A_362 : memref<80x128xf32, #tpu.memory_space<vmem>>) dst(%dma_wait3A_358 : memref<80x128xf32, #tpu.memory_space<vmem_shared>>)
    %dma_wait3A_363 = arith.constant 2 : i32
    %dma_wait3A_364 = arith.constant 0 : i32
    %dma_wait3A_365 = arith.constant 0 : i32
    %dma_wait3A_366 = tpu.memref_slice %arg9[%dma_wait3A_363, %dma_wait3A_364, %dma_wait3A_365] : memref<3x80x128xf32, #tpu.memory_space<vmem>> -> memref<1x80x128xf32, #tpu.memory_space<vmem>>
    %dma_wait3A_367 = tpu.memref_squeeze %dma_wait3A_366 : memref<1x80x128xf32, #tpu.memory_space<vmem>> -> memref<80x128xf32, #tpu.memory_space<vmem>>
    %dma_wait3A_368 = arith.constant 0 : i32
    %dma_wait3A_369 = arith.constant 0 : i32
    %dma_wait3A_370 = tpu.memref_slice %arg6[%dma_wait3A_368, %dma_wait3A_369] : memref<10240x128xf32, #tpu.memory_space<vmem_shared>> -> memref<80x128xf32, #tpu.memory_space<vmem_shared>>
    %dma_wait3A_371 = arith.constant 0 : i32
    %dma_wait3A_372 = arith.constant 0 : i32
    %dma_wait3A_373 = tpu.memref_slice %arg6[%dma_wait3A_371, %dma_wait3A_372] : memref<10240x128xf32, #tpu.memory_space<vmem_shared>> -> memref<80x128xf32, #tpu.memory_space<vmem_shared>>
    %dma_wait3A_374 = arith.constant 0 : i32
    %dma_wait3A_375 = arith.constant 0 : i32
    %dma_wait3A_376 = tpu.memref_slice %arg9[%dma_wait3A_363, %dma_wait3A_374, %dma_wait3A_375] : memref<3x80x128xf32, #tpu.memory_space<vmem>> -> memref<1x80x128xf32, #tpu.memory_space<vmem>>
    %dma_wait3A_377 = tpu.memref_squeeze %dma_wait3A_376 : memref<1x80x128xf32, #tpu.memory_space<vmem>> -> memref<80x128xf32, #tpu.memory_space<vmem>>
    tpu.wait_dma2 semaphore(%arg15 : memref<!tpu.dma_semaphore, #tpu.memory_space<semaphore_mem>>) src(%dma_wait3A_377 : memref<80x128xf32, #tpu.memory_space<vmem>>) dst(%dma_wait3A_373 : memref<80x128xf32, #tpu.memory_space<vmem_shared>>)
    %dma_wait3A_378 = arith.constant 2 : i32
    %dma_wait3A_379 = arith.constant 0 : i32
    %dma_wait3A_380 = arith.constant 0 : i32
    %dma_wait3A_381 = tpu.memref_slice %arg9[%dma_wait3A_378, %dma_wait3A_379, %dma_wait3A_380] : memref<3x80x128xf32, #tpu.memory_space<vmem>> -> memref<1x80x128xf32, #tpu.memory_space<vmem>>
    %dma_wait3A_382 = tpu.memref_squeeze %dma_wait3A_381 : memref<1x80x128xf32, #tpu.memory_space<vmem>> -> memref<80x128xf32, #tpu.memory_space<vmem>>
    %dma_wait3A_383 = arith.constant 0 : i32
    %dma_wait3A_384 = arith.constant 0 : i32
    %dma_wait3A_385 = tpu.memref_slice %arg6[%dma_wait3A_383, %dma_wait3A_384] : memref<10240x128xf32, #tpu.memory_space<vmem_shared>> -> memref<80x128xf32, #tpu.memory_space<vmem_shared>>
    %dma_wait3A_386 = arith.constant 0 : i32
    %dma_wait3A_387 = arith.constant 0 : i32
    %dma_wait3A_388 = tpu.memref_slice %arg6[%dma_wait3A_386, %dma_wait3A_387] : memref<10240x128xf32, #tpu.memory_space<vmem_shared>> -> memref<80x128xf32, #tpu.memory_space<vmem_shared>>
    %dma_wait3A_389 = arith.constant 0 : i32
    %dma_wait3A_390 = arith.constant 0 : i32
    %dma_wait3A_391 = tpu.memref_slice %arg9[%dma_wait3A_378, %dma_wait3A_389, %dma_wait3A_390] : memref<3x80x128xf32, #tpu.memory_space<vmem>> -> memref<1x80x128xf32, #tpu.memory_space<vmem>>
    %dma_wait3A_392 = tpu.memref_squeeze %dma_wait3A_391 : memref<1x80x128xf32, #tpu.memory_space<vmem>> -> memref<80x128xf32, #tpu.memory_space<vmem>>
    tpu.wait_dma2 semaphore(%arg15 : memref<!tpu.dma_semaphore, #tpu.memory_space<semaphore_mem>>) src(%dma_wait3A_392 : memref<80x128xf32, #tpu.memory_space<vmem>>) dst(%dma_wait3A_388 : memref<80x128xf32, #tpu.memory_space<vmem_shared>>)
    %dma_wait3A_393 = arith.constant 2 : i32
    %dma_wait3A_394 = arith.constant 0 : i32
    %dma_wait3A_395 = arith.constant 0 : i32
    %dma_wait3A_396 = tpu.memref_slice %arg9[%dma_wait3A_393, %dma_wait3A_394, %dma_wait3A_395] : memref<3x80x128xf32, #tpu.memory_space<vmem>> -> memref<1x80x128xf32, #tpu.memory_space<vmem>>
    %dma_wait3A_397 = tpu.memref_squeeze %dma_wait3A_396 : memref<1x80x128xf32, #tpu.memory_space<vmem>> -> memref<80x128xf32, #tpu.memory_space<vmem>>
    %dma_wait3A_398 = arith.constant 0 : i32
    %dma_wait3A_399 = arith.constant 0 : i32
    %dma_wait3A_400 = tpu.memref_slice %arg6[%dma_wait3A_398, %dma_wait3A_399] : memref<10240x128xf32, #tpu.memory_space<vmem_shared>> -> memref<80x128xf32, #tpu.memory_space<vmem_shared>>
    %dma_wait3A_401 = arith.constant 0 : i32
    %dma_wait3A_402 = arith.constant 0 : i32
    %dma_wait3A_403 = tpu.memref_slice %arg6[%dma_wait3A_401, %dma_wait3A_402] : memref<10240x128xf32, #tpu.memory_space<vmem_shared>> -> memref<80x128xf32, #tpu.memory_space<vmem_shared>>
    %dma_wait3A_404 = arith.constant 0 : i32
    %dma_wait3A_405 = arith.constant 0 : i32
    %dma_wait3A_406 = tpu.memref_slice %arg9[%dma_wait3A_393, %dma_wait3A_404, %dma_wait3A_405] : memref<3x80x128xf32, #tpu.memory_space<vmem>> -> memref<1x80x128xf32, #tpu.memory_space<vmem>>
    %dma_wait3A_407 = tpu.memref_squeeze %dma_wait3A_406 : memref<1x80x128xf32, #tpu.memory_space<vmem>> -> memref<80x128xf32, #tpu.memory_space<vmem>>
    tpu.wait_dma2 semaphore(%arg15 : memref<!tpu.dma_semaphore, #tpu.memory_space<semaphore_mem>>) src(%dma_wait3A_407 : memref<80x128xf32, #tpu.memory_space<vmem>>) dst(%dma_wait3A_403 : memref<80x128xf32, #tpu.memory_space<vmem_shared>>)
    %dma_wait3A_408 = arith.constant 0 : i32
    %dma_wait3A_409 = tpu.memref_slice %arg7[%dma_wait3A_408] : memref<10240xf32, #tpu.memory_space<vmem_shared>> -> memref<640xf32, #tpu.memory_space<vmem_shared>>
    %dma_wait3A_410 = arith.constant 0 : i32
    %dma_wait3A_411 = tpu.memref_slice %arg7[%dma_wait3A_410] : memref<10240xf32, #tpu.memory_space<vmem_shared>> -> memref<640xf32, #tpu.memory_space<vmem_shared>>
    tpu.wait_dma2 semaphore(%arg15 : memref<!tpu.dma_semaphore, #tpu.memory_space<semaphore_mem>>) src(%arg11 : memref<640xf32, #tpu.memory_space<vmem>>) dst(%dma_wait3A_411 : memref<640xf32, #tpu.memory_space<vmem_shared>>)
    %barrier3A = arith.constant 0 : index
    tpu.barrier barrier_id(%barrier3A)
    %scan3A_412 = arith.constant 0 : i32
    %scan3A_413 = arith.constant 0 : i32
    %scan3A_414 = arith.constant 124 : i32
    %scan3A_415 = arith.addi %scan3A_413, %scan3A_414 : i32
    %scan3A_416 = arith.constant 1 : i32
    scf.for %scan3A_508 = %scan3A_413 to %scan3A_415 step %scan3A_416  : i32 {
      %rem3A = arith.constant 3 : i32
      %rem3A_509 = arith.remsi %scan3A_508, %rem3A : i32
      %rem3A_510 = arith.constant 4 : i32
      %rem3A_511 = arith.remsi %scan3A_508, %rem3A_510 : i32
      %add3A_512 = arith.constant 2 : i32
      %add3A_513 = arith.addi %scan3A_508, %add3A_512 : i32
      %rem3A_514 = arith.constant 3 : i32
      %rem3A_515 = arith.remsi %add3A_513, %rem3A_514 : i32
      %add3A_516 = arith.constant 2 : i32
      %add3A_517 = arith.addi %scan3A_508, %add3A_516 : i32
      %rem3A_518 = arith.constant 4 : i32
      %rem3A_519 = arith.remsi %add3A_517, %rem3A_518 : i32
      %add3A_520 = arith.constant 3 : i32
      %add3A_521 = arith.addi %scan3A_508, %add3A_520 : i32
      %rem3A_522 = arith.constant 4 : i32
      %rem3A_523 = arith.remsi %add3A_521, %rem3A_522 : i32
      %ge3A = arith.constant 1 : i32
      %ge3A_524 = arith.cmpi sge, %scan3A_508, %ge3A : i32
      %convert_element_type3A = arith.extui %ge3A_524 : i1 to i32
      %cond3A = arith.constant 0 : i32
      %cond3A_525 = arith.cmpi ne, %convert_element_type3A, %cond3A : i32
      scf.if %cond3A_525 {
        %dma_wait3A_567 = arith.constant 0 : i32
        %dma_wait3A_568 = arith.constant 0 : i32
        %dma_wait3A_569 = arith.constant 1 : i32
        %dma_wait3A_570 = arith.constant 0 : i32
        %dma_wait3A_571 = arith.constant 0 : i32
        %dma_wait3A_572 = tpu.memref_slice %arg9[%dma_wait3A_567, %dma_wait3A_570, %dma_wait3A_571] : memref<3x80x128xf32, #tpu.memory_space<vmem>> -> memref<1x80x128xf32, #tpu.memory_space<vmem>>
        %dma_wait3A_573 = tpu.memref_squeeze %dma_wait3A_572 : memref<1x80x128xf32, #tpu.memory_space<vmem>> -> memref<80x128xf32, #tpu.memory_space<vmem>>
        %dma_wait3A_574 = arith.constant 0 : i32
        %dma_wait3A_575 = tpu.memref_slice %arg8[%dma_wait3A_568, %dma_wait3A_569, %dma_wait3A_574] : memref<4x2x80xi32, #tpu.memory_space<vmem>> -> memref<1x1x80xi32, #tpu.memory_space<vmem>>
        %dma_wait3A_576 = tpu.memref_squeeze %dma_wait3A_575 : memref<1x1x80xi32, #tpu.memory_space<vmem>> -> memref<80xi32, #tpu.memory_space<vmem>>
        %dma_wait3A_577 = arith.constant 0 : i32
        %dma_wait3A_578 = arith.constant 0 : i32
        %dma_wait3A_579 = tpu.memref_slice %arg6[%dma_wait3A_577, %dma_wait3A_578] : memref<10240x128xf32, #tpu.memory_space<vmem_shared>> -> memref<10240x128xf32, #tpu.memory_space<vmem_shared>>
        tpu.wait_indirect_dma semaphore(%arg15 : memref<!tpu.dma_semaphore, #tpu.memory_space<semaphore_mem>>) src(%dma_wait3A_573 : memref<80x128xf32, #tpu.memory_space<vmem>>) dst(%dma_wait3A_579 : memref<10240x128xf32, #tpu.memory_space<vmem_shared>>)
        %dma_wait3A_580 = arith.constant 0 : i32
        %dma_wait3A_581 = arith.constant 1 : i32
        %dma_wait3A_582 = arith.constant 0 : i32
        %dma_wait3A_583 = tpu.memref_slice %arg8[%dma_wait3A_580, %dma_wait3A_581, %dma_wait3A_582] : memref<4x2x80xi32, #tpu.memory_space<vmem>> -> memref<1x1x80xi32, #tpu.memory_space<vmem>>
        %dma_wait3A_584 = tpu.memref_squeeze %dma_wait3A_583 : memref<1x1x80xi32, #tpu.memory_space<vmem>> -> memref<80xi32, #tpu.memory_space<vmem>>
        %dma_wait3A_585 = arith.constant 0 : i32
        %dma_wait3A_586 = tpu.memref_slice %arg7[%dma_wait3A_585] : memref<10240xf32, #tpu.memory_space<vmem_shared>> -> memref<10240xf32, #tpu.memory_space<vmem_shared>>
        tpu.wait_indirect_dma semaphore(%arg14 : memref<!tpu.dma_semaphore, #tpu.memory_space<semaphore_mem>>) src(%arg10 : memref<80xf32, #tpu.memory_space<vmem>>) dst(%dma_wait3A_586 : memref<10240xf32, #tpu.memory_space<vmem_shared>>)
      } else {
      }
      %add3A_526 = arith.constant 3 : i32
      %add3A_527 = arith.addi %scan3A_508, %add3A_526 : i32
      %lt3A = arith.constant 125 : i32
      %lt3A_528 = arith.cmpi slt, %add3A_527, %lt3A : i32
      %convert_element_type3A_529 = arith.extui %lt3A_528 : i1 to i32
      %cond3A_530 = arith.constant 0 : i32
      %cond3A_531 = arith.cmpi ne, %convert_element_type3A_529, %cond3A_530 : i32
      scf.if %cond3A_531 {
        %add3A_567 = arith.constant 3 : i32
        %add3A_568 = arith.addi %scan3A_508, %add3A_567 : i32
        %mul3A_569 = arith.constant 80 : i32
        %mul3A_570 = arith.muli %add3A_568, %mul3A_569 : i32
        %add3A_571 = arith.addi %mul3A_2, %mul3A_570 : i32
        %dma_start3A_572 = arith.constant 0 : i32
        %dma_start3A_573 = arith.constant 0 : i32
        %dma_start3A_574 = tpu.memref_slice %arg8[%rem3A_523, %dma_start3A_572, %dma_start3A_573] : memref<4x2x80xi32, #tpu.memory_space<vmem>> -> memref<1x1x80xi32, #tpu.memory_space<vmem>>
        %dma_start3A_575 = tpu.memref_squeeze %dma_start3A_574 : memref<1x1x80xi32, #tpu.memory_space<vmem>> -> memref<80xi32, #tpu.memory_space<vmem>>
        %dma_start3A_576 = tpu.memref_slice %arg3[%add3A_571] : memref<640000xi32, #tpu.memory_space<hbm>> -> memref<80xi32, #tpu.memory_space<hbm>>
        %dma_start3A_577 = arith.constant 0 : i32
        %dma_start3A_578 = tpu.memref_slice %arg8[%rem3A_523, %dma_start3A_572, %dma_start3A_577] : memref<4x2x80xi32, #tpu.memory_space<vmem>> -> memref<1x1x80xi32, #tpu.memory_space<vmem>>
        %dma_start3A_579 = tpu.memref_squeeze %dma_start3A_578 : memref<1x1x80xi32, #tpu.memory_space<vmem>> -> memref<80xi32, #tpu.memory_space<vmem>>
        %dma_start3A_580 = tpu.memref_slice %arg3[%add3A_571] : memref<640000xi32, #tpu.memory_space<hbm>> -> memref<80xi32, #tpu.memory_space<hbm>>
        tpu.enqueue_dma source(%dma_start3A_580 : memref<80xi32, #tpu.memory_space<hbm>>) target(%dma_start3A_579 : memref<80xi32, #tpu.memory_space<vmem>>) target_semaphore(%arg12 : memref<!tpu.dma_semaphore, #tpu.memory_space<semaphore_mem>>)
        %add3A_581 = arith.constant 320000 : i32
        %add3A_582 = arith.addi %add3A_581, %add3A_571 : i32
        %dma_start3A_583 = arith.constant 1 : i32
        %dma_start3A_584 = arith.constant 0 : i32
        %dma_start3A_585 = tpu.memref_slice %arg8[%rem3A_523, %dma_start3A_583, %dma_start3A_584] : memref<4x2x80xi32, #tpu.memory_space<vmem>> -> memref<1x1x80xi32, #tpu.memory_space<vmem>>
        %dma_start3A_586 = tpu.memref_squeeze %dma_start3A_585 : memref<1x1x80xi32, #tpu.memory_space<vmem>> -> memref<80xi32, #tpu.memory_space<vmem>>
        %dma_start3A_587 = tpu.memref_slice %arg3[%add3A_582] : memref<640000xi32, #tpu.memory_space<hbm>> -> memref<80xi32, #tpu.memory_space<hbm>>
        %dma_start3A_588 = arith.constant 0 : i32
        %dma_start3A_589 = tpu.memref_slice %arg8[%rem3A_523, %dma_start3A_583, %dma_start3A_588] : memref<4x2x80xi32, #tpu.memory_space<vmem>> -> memref<1x1x80xi32, #tpu.memory_space<vmem>>
        %dma_start3A_590 = tpu.memref_squeeze %dma_start3A_589 : memref<1x1x80xi32, #tpu.memory_space<vmem>> -> memref<80xi32, #tpu.memory_space<vmem>>
        %dma_start3A_591 = tpu.memref_slice %arg3[%add3A_582] : memref<640000xi32, #tpu.memory_space<hbm>> -> memref<80xi32, #tpu.memory_space<hbm>>
        tpu.enqueue_dma source(%dma_start3A_591 : memref<80xi32, #tpu.memory_space<hbm>>) target(%dma_start3A_590 : memref<80xi32, #tpu.memory_space<vmem>>) target_semaphore(%arg12 : memref<!tpu.dma_semaphore, #tpu.memory_space<semaphore_mem>>)
      } else {
      }
      %add3A_532 = arith.constant 2 : i32
      %add3A_533 = arith.addi %scan3A_508, %add3A_532 : i32
      %lt3A_534 = arith.constant 125 : i32
      %lt3A_535 = arith.cmpi slt, %add3A_533, %lt3A_534 : i32
      %convert_element_type3A_536 = arith.extui %lt3A_535 : i1 to i32
      %cond3A_537 = arith.constant 0 : i32
      %cond3A_538 = arith.cmpi ne, %convert_element_type3A_536, %cond3A_537 : i32
      scf.if %cond3A_538 {
        %dma_wait3A_567 = arith.constant 0 : i32
        %dma_wait3A_568 = arith.constant 0 : i32
        %dma_wait3A_569 = arith.constant 0 : i32
        %dma_wait3A_570 = tpu.memref_slice %arg8[%dma_wait3A_567, %dma_wait3A_568, %dma_wait3A_569] : memref<4x2x80xi32, #tpu.memory_space<vmem>> -> memref<1x1x80xi32, #tpu.memory_space<vmem>>
        %dma_wait3A_571 = tpu.memref_squeeze %dma_wait3A_570 : memref<1x1x80xi32, #tpu.memory_space<vmem>> -> memref<80xi32, #tpu.memory_space<vmem>>
        %dma_wait3A_572 = arith.constant 0 : i32
        %dma_wait3A_573 = tpu.memref_slice %arg3[%dma_wait3A_572] : memref<640000xi32, #tpu.memory_space<hbm>> -> memref<80xi32, #tpu.memory_space<hbm>>
        %dma_wait3A_574 = arith.constant 0 : i32
        %dma_wait3A_575 = tpu.memref_slice %arg8[%dma_wait3A_567, %dma_wait3A_568, %dma_wait3A_574] : memref<4x2x80xi32, #tpu.memory_space<vmem>> -> memref<1x1x80xi32, #tpu.memory_space<vmem>>
        %dma_wait3A_576 = tpu.memref_squeeze %dma_wait3A_575 : memref<1x1x80xi32, #tpu.memory_space<vmem>> -> memref<80xi32, #tpu.memory_space<vmem>>
        %dma_wait3A_577 = arith.constant 0 : i32
        %dma_wait3A_578 = tpu.memref_slice %arg3[%dma_wait3A_577] : memref<640000xi32, #tpu.memory_space<hbm>> -> memref<80xi32, #tpu.memory_space<hbm>>
        tpu.wait_dma2 semaphore(%arg12 : memref<!tpu.dma_semaphore, #tpu.memory_space<semaphore_mem>>) src(%dma_wait3A_578 : memref<80xi32, #tpu.memory_space<hbm>>) dst(%dma_wait3A_576 : memref<80xi32, #tpu.memory_space<vmem>>)
        %dma_wait3A_579 = arith.constant 0 : i32
        %dma_wait3A_580 = arith.constant 1 : i32
        %dma_wait3A_581 = arith.constant 0 : i32
        %dma_wait3A_582 = tpu.memref_slice %arg8[%dma_wait3A_579, %dma_wait3A_580, %dma_wait3A_581] : memref<4x2x80xi32, #tpu.memory_space<vmem>> -> memref<1x1x80xi32, #tpu.memory_space<vmem>>
        %dma_wait3A_583 = tpu.memref_squeeze %dma_wait3A_582 : memref<1x1x80xi32, #tpu.memory_space<vmem>> -> memref<80xi32, #tpu.memory_space<vmem>>
        %dma_wait3A_584 = arith.constant 0 : i32
        %dma_wait3A_585 = tpu.memref_slice %arg3[%dma_wait3A_584] : memref<640000xi32, #tpu.memory_space<hbm>> -> memref<80xi32, #tpu.memory_space<hbm>>
        %dma_wait3A_586 = arith.constant 0 : i32
        %dma_wait3A_587 = tpu.memref_slice %arg8[%dma_wait3A_579, %dma_wait3A_580, %dma_wait3A_586] : memref<4x2x80xi32, #tpu.memory_space<vmem>> -> memref<1x1x80xi32, #tpu.memory_space<vmem>>
        %dma_wait3A_588 = tpu.memref_squeeze %dma_wait3A_587 : memref<1x1x80xi32, #tpu.memory_space<vmem>> -> memref<80xi32, #tpu.memory_space<vmem>>
        %dma_wait3A_589 = arith.constant 0 : i32
        %dma_wait3A_590 = tpu.memref_slice %arg3[%dma_wait3A_589] : memref<640000xi32, #tpu.memory_space<hbm>> -> memref<80xi32, #tpu.memory_space<hbm>>
        tpu.wait_dma2 semaphore(%arg12 : memref<!tpu.dma_semaphore, #tpu.memory_space<semaphore_mem>>) src(%dma_wait3A_590 : memref<80xi32, #tpu.memory_space<hbm>>) dst(%dma_wait3A_588 : memref<80xi32, #tpu.memory_space<vmem>>)
        %dma_start3A_591 = arith.constant 0 : i32
        %dma_start3A_592 = arith.constant 0 : i32
        %dma_start3A_593 = arith.constant 0 : i32
        %dma_start3A_594 = tpu.memref_slice %arg9[%rem3A_515, %dma_start3A_592, %dma_start3A_593] : memref<3x80x128xf32, #tpu.memory_space<vmem>> -> memref<1x80x128xf32, #tpu.memory_space<vmem>>
        %dma_start3A_595 = tpu.memref_squeeze %dma_start3A_594 : memref<1x80x128xf32, #tpu.memory_space<vmem>> -> memref<80x128xf32, #tpu.memory_space<vmem>>
        %dma_start3A_596 = arith.constant 0 : i32
        %dma_start3A_597 = tpu.memref_slice %arg8[%rem3A_519, %dma_start3A_591, %dma_start3A_596] : memref<4x2x80xi32, #tpu.memory_space<vmem>> -> memref<1x1x80xi32, #tpu.memory_space<vmem>>
        %dma_start3A_598 = tpu.memref_squeeze %dma_start3A_597 : memref<1x1x80xi32, #tpu.memory_space<vmem>> -> memref<80xi32, #tpu.memory_space<vmem>>
        %dma_start3A_599 = arith.constant 0 : i32
        %dma_start3A_600 = arith.constant 0 : i32
        %dma_start3A_601 = tpu.memref_slice %arg2[%dma_start3A_599, %dma_start3A_600] : memref<10000x128xf32, #tpu.memory_space<hbm>> -> memref<10000x128xf32, #tpu.memory_space<hbm>>
        tpu.enqueue_indirect_dma source(%dma_start3A_601 : memref<10000x128xf32, #tpu.memory_space<hbm>>) target(%dma_start3A_595 : memref<80x128xf32, #tpu.memory_space<vmem>>) offsets(%dma_start3A_598 : memref<80xi32, #tpu.memory_space<vmem>>) semaphore(%arg13 : memref<!tpu.dma_semaphore, #tpu.memory_space<semaphore_mem>>)
      } else {
      }
      %dma_wait3A_539 = arith.constant 0 : i32
      %dma_wait3A_540 = arith.constant 0 : i32
      %dma_wait3A_541 = arith.constant 0 : i32
      %dma_wait3A_542 = tpu.memref_slice %arg9[%rem3A_509, %dma_wait3A_540, %dma_wait3A_541] : memref<3x80x128xf32, #tpu.memory_space<vmem>> -> memref<1x80x128xf32, #tpu.memory_space<vmem>>
      %dma_wait3A_543 = tpu.memref_squeeze %dma_wait3A_542 : memref<1x80x128xf32, #tpu.memory_space<vmem>> -> memref<80x128xf32, #tpu.memory_space<vmem>>
      %dma_wait3A_544 = arith.constant 0 : i32
      %dma_wait3A_545 = tpu.memref_slice %arg8[%rem3A_511, %dma_wait3A_539, %dma_wait3A_544] : memref<4x2x80xi32, #tpu.memory_space<vmem>> -> memref<1x1x80xi32, #tpu.memory_space<vmem>>
      %dma_wait3A_546 = tpu.memref_squeeze %dma_wait3A_545 : memref<1x1x80xi32, #tpu.memory_space<vmem>> -> memref<80xi32, #tpu.memory_space<vmem>>
      %dma_wait3A_547 = arith.constant 0 : i32
      %dma_wait3A_548 = arith.constant 0 : i32
      %dma_wait3A_549 = tpu.memref_slice %arg2[%dma_wait3A_547, %dma_wait3A_548] : memref<10000x128xf32, #tpu.memory_space<hbm>> -> memref<10000x128xf32, #tpu.memory_space<hbm>>
      tpu.wait_indirect_dma semaphore(%arg13 : memref<!tpu.dma_semaphore, #tpu.memory_space<semaphore_mem>>) src(%dma_wait3A_549 : memref<10000x128xf32, #tpu.memory_space<hbm>>) dst(%dma_wait3A_543 : memref<80x128xf32, #tpu.memory_space<vmem>>)
      %dma_start3A_550 = arith.constant 1 : i32
      %dma_start3A_551 = arith.constant 0 : i32
      %dma_start3A_552 = tpu.memref_slice %arg8[%rem3A_511, %dma_start3A_550, %dma_start3A_551] : memref<4x2x80xi32, #tpu.memory_space<vmem>> -> memref<1x1x80xi32, #tpu.memory_space<vmem>>
      %dma_start3A_553 = tpu.memref_squeeze %dma_start3A_552 : memref<1x1x80xi32, #tpu.memory_space<vmem>> -> memref<80xi32, #tpu.memory_space<vmem>>
      %dma_start3A_554 = arith.constant 0 : i32
      %dma_start3A_555 = tpu.memref_slice %arg7[%dma_start3A_554] : memref<10240xf32, #tpu.memory_space<vmem_shared>> -> memref<10240xf32, #tpu.memory_space<vmem_shared>>
      tpu.enqueue_indirect_dma source(%arg10 : memref<80xf32, #tpu.memory_space<vmem>>) target(%dma_start3A_555 : memref<10240xf32, #tpu.memory_space<vmem_shared>>) offsets(%dma_start3A_553 : memref<80xi32, #tpu.memory_space<vmem>>) semaphore(%arg14 : memref<!tpu.dma_semaphore, #tpu.memory_space<semaphore_mem>>) {add = true}
      %dma_start3A_556 = arith.constant 1 : i32
      %dma_start3A_557 = arith.constant 0 : i32
      %dma_start3A_558 = arith.constant 0 : i32
      %dma_start3A_559 = tpu.memref_slice %arg9[%rem3A_509, %dma_start3A_557, %dma_start3A_558] : memref<3x80x128xf32, #tpu.memory_space<vmem>> -> memref<1x80x128xf32, #tpu.memory_space<vmem>>
      %dma_start3A_560 = tpu.memref_squeeze %dma_start3A_559 : memref<1x80x128xf32, #tpu.memory_space<vmem>> -> memref<80x128xf32, #tpu.memory_space<vmem>>
      %dma_start3A_561 = arith.constant 0 : i32
      %dma_start3A_562 = tpu.memref_slice %arg8[%rem3A_511, %dma_start3A_556, %dma_start3A_561] : memref<4x2x80xi32, #tpu.memory_space<vmem>> -> memref<1x1x80xi32, #tpu.memory_space<vmem>>
      %dma_start3A_563 = tpu.memref_squeeze %dma_start3A_562 : memref<1x1x80xi32, #tpu.memory_space<vmem>> -> memref<80xi32, #tpu.memory_space<vmem>>
      %dma_start3A_564 = arith.constant 0 : i32
      %dma_start3A_565 = arith.constant 0 : i32
      %dma_start3A_566 = tpu.memref_slice %arg6[%dma_start3A_564, %dma_start3A_565] : memref<10240x128xf32, #tpu.memory_space<vmem_shared>> -> memref<10240x128xf32, #tpu.memory_space<vmem_shared>>
      tpu.enqueue_indirect_dma source(%dma_start3A_560 : memref<80x128xf32, #tpu.memory_space<vmem>>) target(%dma_start3A_566 : memref<10240x128xf32, #tpu.memory_space<vmem_shared>>) offsets(%dma_start3A_563 : memref<80xi32, #tpu.memory_space<vmem>>) semaphore(%arg15 : memref<!tpu.dma_semaphore, #tpu.memory_space<semaphore_mem>>) {add = true}
    }
    %scan3A_417 = arith.constant 124 : i32
    %dma_wait3A_418 = arith.constant 0 : i32
    %dma_wait3A_419 = arith.constant 0 : i32
    %dma_wait3A_420 = arith.constant 1 : i32
    %dma_wait3A_421 = arith.constant 0 : i32
    %dma_wait3A_422 = arith.constant 0 : i32
    %dma_wait3A_423 = tpu.memref_slice %arg9[%dma_wait3A_418, %dma_wait3A_421, %dma_wait3A_422] : memref<3x80x128xf32, #tpu.memory_space<vmem>> -> memref<1x80x128xf32, #tpu.memory_space<vmem>>
    %dma_wait3A_424 = tpu.memref_squeeze %dma_wait3A_423 : memref<1x80x128xf32, #tpu.memory_space<vmem>> -> memref<80x128xf32, #tpu.memory_space<vmem>>
    %dma_wait3A_425 = arith.constant 0 : i32
    %dma_wait3A_426 = tpu.memref_slice %arg8[%dma_wait3A_419, %dma_wait3A_420, %dma_wait3A_425] : memref<4x2x80xi32, #tpu.memory_space<vmem>> -> memref<1x1x80xi32, #tpu.memory_space<vmem>>
    %dma_wait3A_427 = tpu.memref_squeeze %dma_wait3A_426 : memref<1x1x80xi32, #tpu.memory_space<vmem>> -> memref<80xi32, #tpu.memory_space<vmem>>
    %dma_wait3A_428 = arith.constant 0 : i32
    %dma_wait3A_429 = arith.constant 0 : i32
    %dma_wait3A_430 = tpu.memref_slice %arg6[%dma_wait3A_428, %dma_wait3A_429] : memref<10240x128xf32, #tpu.memory_space<vmem_shared>> -> memref<10240x128xf32, #tpu.memory_space<vmem_shared>>
    tpu.wait_indirect_dma semaphore(%arg15 : memref<!tpu.dma_semaphore, #tpu.memory_space<semaphore_mem>>) src(%dma_wait3A_424 : memref<80x128xf32, #tpu.memory_space<vmem>>) dst(%dma_wait3A_430 : memref<10240x128xf32, #tpu.memory_space<vmem_shared>>)
    %dma_wait3A_431 = arith.constant 0 : i32
    %dma_wait3A_432 = arith.constant 1 : i32
    %dma_wait3A_433 = arith.constant 0 : i32
    %dma_wait3A_434 = tpu.memref_slice %arg8[%dma_wait3A_431, %dma_wait3A_432, %dma_wait3A_433] : memref<4x2x80xi32, #tpu.memory_space<vmem>> -> memref<1x1x80xi32, #tpu.memory_space<vmem>>
    %dma_wait3A_435 = tpu.memref_squeeze %dma_wait3A_434 : memref<1x1x80xi32, #tpu.memory_space<vmem>> -> memref<80xi32, #tpu.memory_space<vmem>>
    %dma_wait3A_436 = arith.constant 0 : i32
    %dma_wait3A_437 = tpu.memref_slice %arg7[%dma_wait3A_436] : memref<10240xf32, #tpu.memory_space<vmem_shared>> -> memref<10240xf32, #tpu.memory_space<vmem_shared>>
    tpu.wait_indirect_dma semaphore(%arg14 : memref<!tpu.dma_semaphore, #tpu.memory_space<semaphore_mem>>) src(%arg10 : memref<80xf32, #tpu.memory_space<vmem>>) dst(%dma_wait3A_437 : memref<10240xf32, #tpu.memory_space<vmem_shared>>)
    %dma_wait3A_438 = arith.constant 0 : i32
    %dma_wait3A_439 = arith.constant 0 : i32
    %dma_wait3A_440 = arith.constant 1 : i32
    %dma_wait3A_441 = arith.constant 0 : i32
    %dma_wait3A_442 = arith.constant 0 : i32
    %dma_wait3A_443 = tpu.memref_slice %arg9[%dma_wait3A_440, %dma_wait3A_441, %dma_wait3A_442] : memref<3x80x128xf32, #tpu.memory_space<vmem>> -> memref<1x80x128xf32, #tpu.memory_space<vmem>>
    %dma_wait3A_444 = tpu.memref_squeeze %dma_wait3A_443 : memref<1x80x128xf32, #tpu.memory_space<vmem>> -> memref<80x128xf32, #tpu.memory_space<vmem>>
    %dma_wait3A_445 = arith.constant 0 : i32
    %dma_wait3A_446 = tpu.memref_slice %arg8[%dma_wait3A_438, %dma_wait3A_439, %dma_wait3A_445] : memref<4x2x80xi32, #tpu.memory_space<vmem>> -> memref<1x1x80xi32, #tpu.memory_space<vmem>>
    %dma_wait3A_447 = tpu.memref_squeeze %dma_wait3A_446 : memref<1x1x80xi32, #tpu.memory_space<vmem>> -> memref<80xi32, #tpu.memory_space<vmem>>
    %dma_wait3A_448 = arith.constant 0 : i32
    %dma_wait3A_449 = arith.constant 0 : i32
    %dma_wait3A_450 = tpu.memref_slice %arg2[%dma_wait3A_448, %dma_wait3A_449] : memref<10000x128xf32, #tpu.memory_space<hbm>> -> memref<10000x128xf32, #tpu.memory_space<hbm>>
    tpu.wait_indirect_dma semaphore(%arg13 : memref<!tpu.dma_semaphore, #tpu.memory_space<semaphore_mem>>) src(%dma_wait3A_450 : memref<10000x128xf32, #tpu.memory_space<hbm>>) dst(%dma_wait3A_444 : memref<80x128xf32, #tpu.memory_space<vmem>>)
    %dma_start3A_451 = arith.constant 0 : i32
    %dma_start3A_452 = arith.constant 1 : i32
    %dma_start3A_453 = arith.constant 0 : i32
    %dma_start3A_454 = tpu.memref_slice %arg8[%dma_start3A_451, %dma_start3A_452, %dma_start3A_453] : memref<4x2x80xi32, #tpu.memory_space<vmem>> -> memref<1x1x80xi32, #tpu.memory_space<vmem>>
    %dma_start3A_455 = tpu.memref_squeeze %dma_start3A_454 : memref<1x1x80xi32, #tpu.memory_space<vmem>> -> memref<80xi32, #tpu.memory_space<vmem>>
    %dma_start3A_456 = arith.constant 0 : i32
    %dma_start3A_457 = tpu.memref_slice %arg7[%dma_start3A_456] : memref<10240xf32, #tpu.memory_space<vmem_shared>> -> memref<10240xf32, #tpu.memory_space<vmem_shared>>
    tpu.enqueue_indirect_dma source(%arg10 : memref<80xf32, #tpu.memory_space<vmem>>) target(%dma_start3A_457 : memref<10240xf32, #tpu.memory_space<vmem_shared>>) offsets(%dma_start3A_455 : memref<80xi32, #tpu.memory_space<vmem>>) semaphore(%arg14 : memref<!tpu.dma_semaphore, #tpu.memory_space<semaphore_mem>>) {add = true}
    %dma_start3A_458 = arith.constant 1 : i32
    %dma_start3A_459 = arith.constant 0 : i32
    %dma_start3A_460 = arith.constant 1 : i32
    %dma_start3A_461 = arith.constant 0 : i32
    %dma_start3A_462 = arith.constant 0 : i32
    %dma_start3A_463 = tpu.memref_slice %arg9[%dma_start3A_458, %dma_start3A_461, %dma_start3A_462] : memref<3x80x128xf32, #tpu.memory_space<vmem>> -> memref<1x80x128xf32, #tpu.memory_space<vmem>>
    %dma_start3A_464 = tpu.memref_squeeze %dma_start3A_463 : memref<1x80x128xf32, #tpu.memory_space<vmem>> -> memref<80x128xf32, #tpu.memory_space<vmem>>
    %dma_start3A_465 = arith.constant 0 : i32
    %dma_start3A_466 = tpu.memref_slice %arg8[%dma_start3A_459, %dma_start3A_460, %dma_start3A_465] : memref<4x2x80xi32, #tpu.memory_space<vmem>> -> memref<1x1x80xi32, #tpu.memory_space<vmem>>
    %dma_start3A_467 = tpu.memref_squeeze %dma_start3A_466 : memref<1x1x80xi32, #tpu.memory_space<vmem>> -> memref<80xi32, #tpu.memory_space<vmem>>
    %dma_start3A_468 = arith.constant 0 : i32
    %dma_start3A_469 = arith.constant 0 : i32
    %dma_start3A_470 = tpu.memref_slice %arg6[%dma_start3A_468, %dma_start3A_469] : memref<10240x128xf32, #tpu.memory_space<vmem_shared>> -> memref<10240x128xf32, #tpu.memory_space<vmem_shared>>
    tpu.enqueue_indirect_dma source(%dma_start3A_464 : memref<80x128xf32, #tpu.memory_space<vmem>>) target(%dma_start3A_470 : memref<10240x128xf32, #tpu.memory_space<vmem_shared>>) offsets(%dma_start3A_467 : memref<80xi32, #tpu.memory_space<vmem>>) semaphore(%arg15 : memref<!tpu.dma_semaphore, #tpu.memory_space<semaphore_mem>>) {add = true}
    %dma_wait3A_471 = arith.constant 0 : i32
    %dma_wait3A_472 = arith.constant 0 : i32
    %dma_wait3A_473 = arith.constant 1 : i32
    %dma_wait3A_474 = arith.constant 0 : i32
    %dma_wait3A_475 = arith.constant 0 : i32
    %dma_wait3A_476 = tpu.memref_slice %arg9[%dma_wait3A_471, %dma_wait3A_474, %dma_wait3A_475] : memref<3x80x128xf32, #tpu.memory_space<vmem>> -> memref<1x80x128xf32, #tpu.memory_space<vmem>>
    %dma_wait3A_477 = tpu.memref_squeeze %dma_wait3A_476 : memref<1x80x128xf32, #tpu.memory_space<vmem>> -> memref<80x128xf32, #tpu.memory_space<vmem>>
    %dma_wait3A_478 = arith.constant 0 : i32
    %dma_wait3A_479 = tpu.memref_slice %arg8[%dma_wait3A_472, %dma_wait3A_473, %dma_wait3A_478] : memref<4x2x80xi32, #tpu.memory_space<vmem>> -> memref<1x1x80xi32, #tpu.memory_space<vmem>>
    %dma_wait3A_480 = tpu.memref_squeeze %dma_wait3A_479 : memref<1x1x80xi32, #tpu.memory_space<vmem>> -> memref<80xi32, #tpu.memory_space<vmem>>
    %dma_wait3A_481 = arith.constant 0 : i32
    %dma_wait3A_482 = arith.constant 0 : i32
    %dma_wait3A_483 = tpu.memref_slice %arg6[%dma_wait3A_481, %dma_wait3A_482] : memref<10240x128xf32, #tpu.memory_space<vmem_shared>> -> memref<10240x128xf32, #tpu.memory_space<vmem_shared>>
    tpu.wait_indirect_dma semaphore(%arg15 : memref<!tpu.dma_semaphore, #tpu.memory_space<semaphore_mem>>) src(%dma_wait3A_477 : memref<80x128xf32, #tpu.memory_space<vmem>>) dst(%dma_wait3A_483 : memref<10240x128xf32, #tpu.memory_space<vmem_shared>>)
    %dma_wait3A_484 = arith.constant 0 : i32
    %dma_wait3A_485 = arith.constant 1 : i32
    %dma_wait3A_486 = arith.constant 0 : i32
    %dma_wait3A_487 = tpu.memref_slice %arg8[%dma_wait3A_484, %dma_wait3A_485, %dma_wait3A_486] : memref<4x2x80xi32, #tpu.memory_space<vmem>> -> memref<1x1x80xi32, #tpu.memory_space<vmem>>
    %dma_wait3A_488 = tpu.memref_squeeze %dma_wait3A_487 : memref<1x1x80xi32, #tpu.memory_space<vmem>> -> memref<80xi32, #tpu.memory_space<vmem>>
    %dma_wait3A_489 = arith.constant 0 : i32
    %dma_wait3A_490 = tpu.memref_slice %arg7[%dma_wait3A_489] : memref<10240xf32, #tpu.memory_space<vmem_shared>> -> memref<10240xf32, #tpu.memory_space<vmem_shared>>
    tpu.wait_indirect_dma semaphore(%arg14 : memref<!tpu.dma_semaphore, #tpu.memory_space<semaphore_mem>>) src(%arg10 : memref<80xf32, #tpu.memory_space<vmem>>) dst(%dma_wait3A_490 : memref<10240xf32, #tpu.memory_space<vmem_shared>>)
    %barrier3A_491 = arith.constant 0 : index
    tpu.barrier barrier_id(%barrier3A_491)
    %dma_start3A_492 = arith.constant 0 : i32
    %dma_start3A_493 = tpu.memref_slice %arg4[%arg0, %mul3A_92, %dma_start3A_492] : memref<2x10240x128xf32, #tpu.memory_space<hbm>> -> memref<1x640x128xf32, #tpu.memory_space<hbm>>
    %dma_start3A_494 = tpu.memref_squeeze %dma_start3A_493 : memref<1x640x128xf32, #tpu.memory_space<hbm>> -> memref<640x128xf32, #tpu.memory_space<hbm>>
    %dma_start3A_495 = arith.constant 0 : i32
    %dma_start3A_496 = tpu.memref_slice %arg6[%mul3A_92, %dma_start3A_495] : memref<10240x128xf32, #tpu.memory_space<vmem_shared>> -> memref<640x128xf32, #tpu.memory_space<vmem_shared>>
    tpu.enqueue_dma source(%dma_start3A_496 : memref<640x128xf32, #tpu.memory_space<vmem_shared>>) target(%dma_start3A_494 : memref<640x128xf32, #tpu.memory_space<hbm>>) target_semaphore(%arg13 : memref<!tpu.dma_semaphore, #tpu.memory_space<semaphore_mem>>)
    %dma_start3A_497 = tpu.memref_slice %arg5[%arg0, %mul3A_92] : memref<2x10240xf32, #tpu.memory_space<hbm>> -> memref<1x640xf32, #tpu.memory_space<hbm>>
    %dma_start3A_498 = tpu.memref_squeeze %dma_start3A_497 : memref<1x640xf32, #tpu.memory_space<hbm>> -> memref<640xf32, #tpu.memory_space<hbm>>
    %dma_start3A_499 = tpu.memref_slice %arg7[%mul3A_92] : memref<10240xf32, #tpu.memory_space<vmem_shared>> -> memref<640xf32, #tpu.memory_space<vmem_shared>>
    tpu.enqueue_dma source(%dma_start3A_499 : memref<640xf32, #tpu.memory_space<vmem_shared>>) target(%dma_start3A_498 : memref<640xf32, #tpu.memory_space<hbm>>) target_semaphore(%arg14 : memref<!tpu.dma_semaphore, #tpu.memory_space<semaphore_mem>>)
    %dma_wait3A_500 = arith.constant 0 : i32
    %dma_wait3A_501 = tpu.memref_slice %arg4[%arg0, %mul3A_92, %dma_wait3A_500] : memref<2x10240x128xf32, #tpu.memory_space<hbm>> -> memref<1x640x128xf32, #tpu.memory_space<hbm>>
    %dma_wait3A_502 = tpu.memref_squeeze %dma_wait3A_501 : memref<1x640x128xf32, #tpu.memory_space<hbm>> -> memref<640x128xf32, #tpu.memory_space<hbm>>
    %dma_wait3A_503 = arith.constant 0 : i32
    %dma_wait3A_504 = tpu.memref_slice %arg6[%mul3A_92, %dma_wait3A_503] : memref<10240x128xf32, #tpu.memory_space<vmem_shared>> -> memref<640x128xf32, #tpu.memory_space<vmem_shared>>
    tpu.wait_dma2 semaphore(%arg13 : memref<!tpu.dma_semaphore, #tpu.memory_space<semaphore_mem>>) src(%dma_wait3A_504 : memref<640x128xf32, #tpu.memory_space<vmem_shared>>) dst(%dma_wait3A_502 : memref<640x128xf32, #tpu.memory_space<hbm>>)
    %dma_wait3A_505 = tpu.memref_slice %arg5[%arg0, %mul3A_92] : memref<2x10240xf32, #tpu.memory_space<hbm>> -> memref<1x640xf32, #tpu.memory_space<hbm>>
    %dma_wait3A_506 = tpu.memref_squeeze %dma_wait3A_505 : memref<1x640xf32, #tpu.memory_space<hbm>> -> memref<640xf32, #tpu.memory_space<hbm>>
    %dma_wait3A_507 = tpu.memref_slice %arg7[%mul3A_92] : memref<10240xf32, #tpu.memory_space<vmem_shared>> -> memref<640xf32, #tpu.memory_space<vmem_shared>>
    tpu.wait_dma2 semaphore(%arg14 : memref<!tpu.dma_semaphore, #tpu.memory_space<semaphore_mem>>) src(%dma_wait3A_507 : memref<640xf32, #tpu.memory_space<vmem_shared>>) dst(%dma_wait3A_506 : memref<640xf32, #tpu.memory_space<hbm>>)
    return
  }
}

module attributes {stable_mosaic.version = 14 : i64} {
  func.func @body(%arg0: i32, %arg1: memref<2x1000x128xf32, #tpu.memory_space<vmem>>, %arg2: memref<1000x1xf32, #tpu.memory_space<vmem>>, %arg3: memref<1000x128xf32, #tpu.memory_space<vmem>>, %arg4: memref<128x128xf32, #tpu.memory_space<vmem>>, %arg5: memref<128x128xf32, #tpu.memory_space<vmem>>, %arg6: memref<1x128xf32, #tpu.memory_space<vmem>>, %arg7: memref<1000x128xf32, #tpu.memory_space<vmem>>) attributes {dimension_semantics = [#tpu.dimension_semantics<arbitrary>], iteration_bounds = array<i64: 10>, scalar_prefetch = 0 : i64, scratch_operands = 0 : i64, tpu.core_type = #tpu.core_type<tc>, window_params = [{transform_indices = @transform_0, window_bounds = array<i64: 2, 1000, 128>}, {transform_indices = @transform_1, window_bounds = array<i64: 1000, 1>}, {transform_indices = @transform_2, window_bounds = array<i64: 1000, 128>}, {pipeline_mode = #tpu.pipeline_mode<synchronous>, transform_indices = @transform_3, window_bounds = array<i64: 128, 128>}, {pipeline_mode = #tpu.pipeline_mode<synchronous>, transform_indices = @transform_4, window_bounds = array<i64: 128, 128>}, {pipeline_mode = #tpu.pipeline_mode<synchronous>, transform_indices = @transform_5, window_bounds = array<i64: 1, 128>}, {transform_indices = @transform_6, window_bounds = array<i64: 1000, 128>}]} {
    %get3A = arith.constant 0 : index
    %get3A_0 = arith.constant 0 : index
    %get3A_1 = arith.constant 0 : index
    %get3A_2 = vector.load %arg1[%get3A, %get3A_0, %get3A_1] : memref<2x1000x128xf32, #tpu.memory_space<vmem>>, vector<1x1000x128xf32>
    %get3A_3 = vector.shape_cast %get3A_2 : vector<1x1000x128xf32> to vector<1000x128xf32>
    %get3A_4 = arith.constant 1 : index
    %get3A_5 = arith.constant 0 : index
    %get3A_6 = arith.constant 0 : index
    %get3A_7 = vector.load %arg1[%get3A_4, %get3A_5, %get3A_6] : memref<2x1000x128xf32, #tpu.memory_space<vmem>>, vector<1x1000x128xf32>
    %get3A_8 = vector.shape_cast %get3A_7 : vector<1x1000x128xf32> to vector<1000x128xf32>
    %add3A = arith.addf %get3A_3, %get3A_8 : vector<1000x128xf32>
    %get3A_9 = arith.constant 0 : index
    %get3A_10 = arith.constant 0 : index
    %get3A_11 = vector.load %arg2[%get3A_9, %get3A_10] : memref<1000x1xf32, #tpu.memory_space<vmem>>, vector<1000x1xf32>
    %max3A = arith.constant 1.000000e+00 : f32
    %max3A_12 = vector.broadcast %max3A : f32 to vector<1000x1xf32>
    %max3A_13 = arith.maximumf %get3A_11, %max3A_12 : vector<1000x1xf32>
    %div3A = vector.broadcast %max3A_13 : vector<1000x1xf32> to vector<1000x128xf32>
    %div3A_14 = arith.divf %add3A, %div3A : vector<1000x128xf32>
    %get3A_15 = arith.constant 0 : index
    %get3A_16 = arith.constant 0 : index
    %get3A_17 = vector.load %arg4[%get3A_15, %get3A_16] : memref<128x128xf32, #tpu.memory_space<vmem>>, vector<128x128xf32>
    %dot_general3A = arith.constant dense<0.000000e+00> : vector<1000x128xf32>
    %dot_general3A_18 = tpu.matmul %div3A_14, %get3A_17, %dot_general3A {dimension_numbers = #tpu.dot_dimension_numbers<[1], [0], [0], [1], [0, 0, 1, 1], [], []>, transpose_lhs_hint = false} : vector<1000x128xf32>, vector<128x128xf32>, vector<1000x128xf32> -> vector<1000x128xf32>
    %get3A_19 = arith.constant 0 : index
    %get3A_20 = arith.constant 0 : index
    %get3A_21 = vector.load %arg3[%get3A_19, %get3A_20] : memref<1000x128xf32, #tpu.memory_space<vmem>>, vector<1000x128xf32>
    %get3A_22 = arith.constant 0 : index
    %get3A_23 = arith.constant 0 : index
    %get3A_24 = vector.load %arg5[%get3A_22, %get3A_23] : memref<128x128xf32, #tpu.memory_space<vmem>>, vector<128x128xf32>
    %dot_general3A_25 = arith.constant dense<0.000000e+00> : vector<1000x128xf32>
    %dot_general3A_26 = tpu.matmul %get3A_21, %get3A_24, %dot_general3A_25 {dimension_numbers = #tpu.dot_dimension_numbers<[1], [0], [0], [1], [0, 0, 1, 1], [], []>, transpose_lhs_hint = false} : vector<1000x128xf32>, vector<128x128xf32>, vector<1000x128xf32> -> vector<1000x128xf32>
    %add3A_27 = arith.addf %dot_general3A_18, %dot_general3A_26 : vector<1000x128xf32>
    %get3A_28 = arith.constant 0 : index
    %get3A_29 = arith.constant 0 : index
    %get3A_30 = vector.load %arg6[%get3A_28, %get3A_29] : memref<1x128xf32, #tpu.memory_space<vmem>>, vector<1x128xf32>
    %add3A_31 = vector.broadcast %get3A_30 : vector<1x128xf32> to vector<1000x128xf32>
    %add3A_32 = arith.addf %add3A_27, %add3A_31 : vector<1000x128xf32>
    %max3A_33 = arith.constant 0.000000e+00 : f32
    %max3A_34 = vector.broadcast %max3A_33 : f32 to vector<1000x128xf32>
    %max3A_35 = arith.maximumf %add3A_32, %max3A_34 : vector<1000x128xf32>
    %swap3A = arith.constant 0 : index
    %swap3A_36 = arith.constant 0 : index
    %swap3A_37 = vector.load %arg7[%swap3A, %swap3A_36] : memref<1000x128xf32, #tpu.memory_space<vmem>>, vector<1000x128xf32>
    tpu.vector_store %arg7[%swap3A, %swap3A_36], %max3A_35 {strides = array<i32>} : memref<1000x128xf32, #tpu.memory_space<vmem>>, vector<1000x128xf32>,
    return
  }
  func.func @transform_0(%arg0: i32) -> (i32, i32, i32) {
    %c0_i32 = arith.constant 0 : i32
    %c0_i32_0 = arith.constant 0 : i32
    %c0_i32_1 = arith.constant 0 : i32
    return %c0_i32, %arg0, %c0_i32_0 : i32, i32, i32
  }
  func.func @transform_1(%arg0: i32) -> (i32, i32) {
    %c0_i32 = arith.constant 0 : i32
    %c0_i32_0 = arith.constant 0 : i32
    return %arg0, %c0_i32 : i32, i32
  }
  func.func @transform_2(%arg0: i32) -> (i32, i32) {
    %c0_i32 = arith.constant 0 : i32
    %c0_i32_0 = arith.constant 0 : i32
    return %arg0, %c0_i32 : i32, i32
  }
  func.func @transform_3(%arg0: i32) -> (i32, i32) {
    %c0_i32 = arith.constant 0 : i32
    %c0_i32_0 = arith.constant 0 : i32
    %c0_i32_1 = arith.constant 0 : i32
    return %c0_i32, %c0_i32_0 : i32, i32
  }
  func.func @transform_4(%arg0: i32) -> (i32, i32) {
    %c0_i32 = arith.constant 0 : i32
    %c0_i32_0 = arith.constant 0 : i32
    %c0_i32_1 = arith.constant 0 : i32
    return %c0_i32, %c0_i32_0 : i32, i32
  }
  func.func @transform_5(%arg0: i32) -> (i32, i32) {
    %c0_i32 = arith.constant 0 : i32
    %c0_i32_0 = arith.constant 0 : i32
    %c0_i32_1 = arith.constant 0 : i32
    return %c0_i32, %c0_i32_0 : i32, i32
  }
  func.func @transform_6(%arg0: i32) -> (i32, i32) {
    %c0_i32 = arith.constant 0 : i32
    %c0_i32_0 = arith.constant 0 : i32
    return %arg0, %c0_i32 : i32, i32
  }
}

</mosaic_0001>

<sc_bundles>
// kernel: kernel.4.cloned.1.call-start
scs
__scs_entry_jumppad:
0x0: {  	(pc) =	sbr.rel $0x88, $3  }
0x1: {  	(tag) =	ssettag $0x0;
	lr =	simm.s32 $0x1  }
0x2: {  	[smem:$0x3F9C] =	sst lr;
	_ =	strace $0xD0000000  }
0x3: {  	_ = 	snop  }
0x4: {  	_ = 	snop  }
0x5: {  	_ = 	snop  }
0x6: {  	_ = 	snop  }
0x7: {  	_ = 	snop  }
__scs_overlays_trampoline_lowered:
0x8: {  	[smem:$0x3FAB] =	sst s0  }
0x9: {  	[smem:$0x3FAC] =	sst s1  }
0xa: {  	[smem:$0x3FAD] =	sst s2  }
0xb: {  	[smem:$0x3FAE] =	sst s3  }
0xc: {  	[smem:$0x3FAF] =	sst s4  }
0xd: {  	[smem:$0x3FB0] =	sst s5  }
0xe: {  	[smem:$0x3FB1] =	sst s6  }
0xf: {  	[smem:$0x3FB2] =	sst s7  }
0x10: {  	[smem:$0x3FB3] =	sst s8  }
0x11: {  	[smem:$0x3FB4] =	sst s9;
	s0 =	simm.s32 @!p0 $0x0  }
0x12: {  	s1 =	sld [smem:$0x3F9A];
	s0 =	simm.s32 @p0 $0x1  }
0x13: {  	[smem:$0x3FB5] =	sst s0;
	s0 =	simm.s32 @!p1 $0x0  }
0x14: {  	s2 =	sld [smem:$0x3F99];
	s0 =	simm.s32 @p1 $0x1  }
0x15: {  	[smem:$0x3FB6] =	sst s0;
	s0 =	simm.s32 @!p2 $0x0  }
0x16: {  	s3 =	sld [smem:$0x3FDB];
	s0 =	simm.s32 @p2 $0x1  }
0x17: {  	s4 =	simm.s32 $0x1BF5;
	[smem:$0x3FB8] =	sst s0  }
0x18: {  	s0 =	sld [smem:$0x3F9B];
	_ =	swait.ge [sflag:s4], $0x0  }
0x19: {  	s7 =	sld [smem:$0x3F9C]  }
0x1a: {  	s8 =	sadd.s32 $0xFFFFE003, lr  }
0x1b: {  	s9 =	sadd.s32 $0xFFFFFEF7, lr;
	s5 =	simm.s32 $0xFFFFFFFF;
	p2 =	slt.u32 s8, $0xFFFFF086  }
0x1c: {  	p1 =	slt.u32 s9, $0xF7A;
	s5 =	simm.s32 @!p2 $0x0  }
0x1d: {  	s5 =	simm.s32 @p1 $0x1;
	p0 =	seq.s32 s7, s2  }
0x1e: {  	s7 =	smul.u32 @!p0 $0xF7A, s2;
	p2 =	seq.s32 @!p0 s5, $0x0  }
0x1f: {  	s9 =	smul.u32 $0xF7A, s1;
	s8 =	simm.s32 @!p0 $0x1BF5;
	p2 =	por !p2, p0  }
0x20: {  	[sflag:s8] =	ssyncset.s32 @!p0 $0xFFFFF086;
	s6 =	sadd.s32 @!p0 s3, s7;
	s7 =	simm.s32 @!p0 $0x108  }
0x21: {  	s3 =	sadd.s32 s3, s9;
	s6 =	sadd.s32 @!p0 $0x88, s6;
	s7 =	simm.s32 @p2 $0x1082  }
0x22: {  	[simem:s7], [sflag:s8] =	dma.local @!p0 [hbm:s6], $0xF7A  }
0x23: {  	s9 =	sor.u32 $0xD0000000, s2;
	s6 =	simm.s32 $0x108;
	_ =	swait.ge @!p0 [sflag:s8], $0x0  }
0x24: {  	s3 =	sadd.s32 $0x88, s3;
	s6 =	simm.s32 @!p1 $0x1082;
	[sflag:s4] =	ssyncset.s32 $0xFFFFF086  }
0x25: {  	[simem:s6], [sflag:s4] =	dma.local [hbm:s3], $0xF7A  }
0x26: {  	[smem:$0x3F9C] =	sst s1;
	(tag) =	ssettag s2;
	_ =	strace s9  }
0x27: {  	s1 =	sld [smem:$0x3FAC]  }
0x28: {  	s2 =	sld [smem:$0x3FAD]  }
0x29: {  	s4 =	sld [smem:$0x3FAF]  }
0x2a: {  	p0 =	seq.s32 s5, $0x0;
	s5 =	sld [smem:$0x3FB0]  }
0x2b: {  	s6 =	sld [smem:$0x3FB1]  }
0x2c: {  	s7 =	sld [smem:$0x3FB2]  }
0x2d: {  	s3 =	simm.s32 $0x108;
	s8 =	sld [smem:$0x3FB3]  }
0x2e: {  	s3 =	simm.s32 @!p0 $0x1082;
	s9 =	sld [smem:$0x3FB4]  }
0x2f: {  	lr =	sadd.s32 s0, s3;
	s0 =	sld [smem:$0x3FAB]  }
0x30: {  	s3 =	sld [smem:$0x3FAE]  }
0x31: {  	[smem:$0x3FB7] =	sst s10  }
0x32: {  	s10 =	sld [smem:$0x3FB5];
	_ =	sdelay $0x3  }
0x33: {  	p0 =	seq.s32 s10, $0x1;
	s10 =	sld [smem:$0x3FB7];
	_ =	sdelay $0x3  }
0x34: {  	[smem:$0x3FB7] =	sst s10  }
0x35: {  	s10 =	sld [smem:$0x3FB6];
	_ =	sdelay $0x3  }
0x36: {  	p1 =	seq.s32 s10, $0x1;
	s10 =	sld [smem:$0x3FB7];
	_ =	sdelay $0x3  }
0x37: {  	[smem:$0x3FB7] =	sst s10  }
0x38: {  	s10 =	sld [smem:$0x3FB8]  }
0x39: {  	_ = 	snop;
	(pc) =	sbr.ind lr, $3  }
0x3a: {  	_ = 	snop  }
0x3b: {  	_ = 	snop  }
0x3c: {  	p2 =	seq.s32 s10, $0x1;
	s10 =	sld [smem:$0x3FB7]  }
0x3d: {  	_ =	shalt  }
0x3e: {  	_ =	shalt  }
0x3f: {  	_ =	shalt  }
0x40: {  	_ =	shalt  }
0x41: {  	_ =	shalt  }
0x42: {  	_ =	shalt  }
0x43: {  	_ =	shalt  }
0x44: {  	_ =	shalt  }
0x45: {  	_ =	shalt  }
0x46: {  	_ =	shalt  }
0x47: {  	_ =	shalt  }
0x48: {  	_ =	shalt  }
0x49: {  	_ =	shalt  }
0x4a: {  	_ =	shalt  }
0x4b: {  	_ =	shalt  }
0x4c: {  	_ =	shalt  }
0x4d: {  	_ =	shalt  }
0x4e: {  	_ =	shalt  }
0x4f: {  	_ =	shalt  }
0x50: {  	_ =	shalt  }
0x51: {  	_ =	shalt  }
0x52: {  	_ =	shalt  }
0x53: {  	_ =	shalt  }
0x54: {  	_ =	shalt  }
0x55: {  	_ =	shalt  }
0x56: {  	_ =	shalt  }
0x57: {  	_ =	shalt  }
0x58: {  	_ =	shalt  }
0x59: {  	_ =	shalt  }
0x5a: {  	_ =	shalt  }
0x5b: {  	_ =	shalt  }
0x5c: {  	_ =	shalt  }
0x5d: {  	_ =	shalt  }
0x5e: {  	_ =	shalt  }
0x5f: {  	_ =	shalt  }
0x60: {  	_ =	shalt  }
0x61: {  	_ =	shalt  }
0x62: {  	_ =	shalt  }
0x63: {  	_ =	shalt  }
0x64: {  	_ =	shalt  }
0x65: {  	_ =	shalt  }
0x66: {  	_ =	shalt  }
0x67: {  	_ =	shalt  }
0x68: {  	_ =	shalt  }
0x69: {  	_ =	shalt  }
0x6a: {  	_ =	shalt  }
0x6b: {  	_ =	shalt  }
0x6c: {  	_ =	shalt  }
0x6d: {  	_ =	shalt  }
0x6e: {  	_ =	shalt  }
0x6f: {  	_ =	shalt  }
0x70: {  	_ =	shalt  }
0x71: {  	_ =	shalt  }
0x72: {  	_ =	shalt  }
0x73: {  	_ =	shalt  }
0x74: {  	_ =	shalt  }
0x75: {  	_ =	shalt  }
0x76: {  	_ =	shalt  }
0x77: {  	_ =	shalt  }
0x78: {  	_ =	shalt  }
0x79: {  	_ =	shalt  }
0x7a: {  	_ =	shalt  }
0x7b: {  	_ =	shalt  }
0x7c: {  	_ =	shalt  }
0x7d: {  	_ =	shalt  }
0x7e: {  	_ =	shalt  }
0x7f: {  	_ =	shalt  }
0x80: {  	_ =	shalt  }
0x81: {  	_ =	shalt  }
0x82: {  	_ =	shalt  }
0x83: {  	_ =	shalt  }
0x84: {  	_ =	shalt  }
0x85: {  	_ =	shalt  }
0x86: {  	_ =	shalt  }
0x87: {  	_ =	shalt  }
.Lfunc_end0:
.L_simem_size_0:
called_computation_lowered:
.L_overlay_start_0:
0x88: {  	s2 =	sld [smem:$0x3FD9]  }
0x89: {  	s3 =	sld [smem:$0x3FFE];
	_ =	sdelay $0x1  }
0x8a: {  	s1 =	srdreg.scid  }
0x8b: {  	s0 =	sand.u32 $0x1, s1  }
0x8c: {  	s17 =	sshll.u32 s0, $0xA;
	s2 =	sadd.s32 s3, s2  }
0x8d: {  	s2 =	sadd.s32 s2, s17  }
0x8e: {  	[smem:$0x3FC3] =	sst s2  }
0x8f: {  	_ = 	snop  }
0x90: {  	s2 =	sld [smem:$0x3FC9]  }
0x91: {  	s18 =	sld [smem:$0x3FD0];
	(tm) =	ssettm $0x1  }
0x92: {  	s4 =	sld [smem:$0x3FFB];
	_ =	sdelay $0x3  }
0x93: {  	_ =	strace s4  }
0x94: {  	s4 =	sld [smem:$0x3FFC];
	_ =	sdelay $0x3  }
0x95: {  	_ =	strace s4  }
0x96: {  	s4 =	sld [smem:$0x3FFD];
	_ =	sdelay $0x3  }
0x97: {  	_ =	strace s4  }
0x98: {  	_ =	strace $0x8FFFFFFF  }
0x99: {  	s19 =	sld [smem:$0x3FDB];
	_ =	sdelay $0x1  }
0x9a: {  	s5 =	simm.s32 $_scs_section_size  }
0x9b: {  	s6 =	simm.s32 $_size__tile_overlayer_lowered;
	s7 =	simm.s32 $_tile_overlayer_lowered  }
0x9c: {  	s22 =	simm.s32 $0x1BFF;
	s21 =	sshll.u32 s7, $0x1;
	s4 =	sadd.s32 s5, s19  }
0x9d: {  	s8 =	simm.s32 $0x0;
	s20 =	sshll.u32 s6, $0x1;
	s6 =	sadd.s32 s21, s4  }
0x9e: {  	[timem:s8], [sflag:s22] =	dma.local [hbm:s6], s20  }
0x9f: {  	_ =	swait.ge [sflag:s22], s20  }
0xa0: {  	s5 =	ssub.s32 $0x0, s20;
	[sflag:s22] =	ssyncset.done $0x0  }
0xa1: {  	[sflag:s22] =	ssyncadd.s32 s5;
	_ =	sdelay $0x1  }
0xa2: {  	s23 =	simm.s32 $0x1B8B  }
0xa3: {  	_ =	swait.ge [sflag:s23], $0x1  }
0xa4: {  	[sflag:s23] =	ssyncset.done $0x0  }
0xa5: {  	s25 =	simm.s32 $0x1B8E;
	s24 =	sld [smem:$0x3FFE];
	[sflag:s23] =	ssyncadd.s32 $0xFFFFFFFF  }
0xa6: {  	s26 =	simm.s32 $execute0_lowered;
	[smem:$0x3FD2] =	sst s25  }
0xa7: {  	s6 =	sshll.u32 s26, $0x1;
	_ =	strace $0x80000046;
	[dreg:$0x1] =	wrdreg $0xFFFFFFFF  }
0xa8: {  	s28 =	simm.s32 $_size_execute0_lowered;
	s4 =	sadd.s32 s4, s6;
	[dreg:$0x0] =	wrdreg $0x0  }
0xa9: {  	s6 =	sshll.u32 s28, $0x1;
	[dreg:$0x2] =	wrdreg s4  }
0xaa: {  	[dreg:$0x3] =	wrdreg s6  }
0xab: {  	[dreg:$0x4] =	wrdreg $0xC0  }
0xac: {  	_ =	task [dreg:s8], $0x5FFFF  }
0xad: {  	[dreg:$0x1] =	wrdreg $0xFFFFFFFF  }
0xae: {  	[dreg:$0x0] =	wrdreg $0x60  }
0xaf: {  	[dreg:$0x2] =	wrdreg s2  }
0xb0: {  	[dreg:$0x3] =	wrdreg s18  }
0xb1: {  	[dreg:$0x4] =	wrdreg s24  }
0xb2: {  	[dreg:$0x5] =	wrdreg $0x0  }
0xb3: {  	[dreg:$0x6] =	wrdreg $0x140000  }
0xb4: {  	[dreg:$0x7] =	wrdreg $0x9  }
0xb5: {  	_ =	task.clear_ibuf [dreg:s8], $0x8FFFF;
	_ =	strace $0x90000046  }
0xb6: {  	s29 =	simm.s32 $0x9;
	_ =	strace $0x80000048  }
0xb7: {  	_ =	swait.ge [sflag:s29], $0x1  }
0xb8: {  	[sflag:s29] =	ssyncadd.s32 $0xFFFFFFFF  }
0xb9: {  	_ =	strace $0x90000048  }
0xba: {  	_ =	sfence  }
0xbb: {  	s30 =	sld [smem:$0x0];
	_ =	sdelay $0x2  }
0xbc: {  	s31 =	sshll.u32 s1, $0xD;
	s1 =	sshrl.u32 s1, $0x2  }
0xbd: {  	s3 =	sand.u32 $0x4000, s31;
	s1 =	sadd.s32 s1, s30  }
0xbe: {  	s0 =	sor.u32 s3, s0;
	s1 =	sshll.u32 s1, $0x11  }
0xbf: {  	s0 =	sor.u32 s1, s0  }
0xc0: {  	s0 =	sadd.s32 $0x8F2B, s0  }
0xc1: {  	[sflag:s0] =	ssyncadd.remote.s32 $0x1  }
0xc2: {  	_ =	sfence.sel $0xFFFF  }
0xc3: {  	[dreg:$0x0] =	wrdreg $0xFFFFFFFF;
	(pc) =	sbr.abs _section_cstart, $3  }
0xc4: {  	[dreg:$0x1] =	wrdreg $0xFFFFFFFF  }
0xc5: {  	_ =	task.clear_ibuf [dreg:s8], $0x2FFFF;
	_ =	strace $0x9FFFFFFF  }
0xc6: {  	(tm) =	ssettm $0x7FFFFFFF  }
0xc7: {  	_ =	shalt  }
tec
execute0_lowered:
.L_overlay_start_1:
0x0: {  	(tag) =	ssettag $0x1  }
0x1: {  	s1 =	rddreg [dreg:$0x0]  }
0x2: {  	s0 =	rddreg [dreg:$0x1]  }
0x3: {  	s4 =	rddreg [dreg:$0x2]  }
0x4: {  	s2 =	rddreg [dreg:$0x3]  }
0x5: {  	s3 =	rddreg [dreg:$0x4];
	s11 =	stileid.u32  }
0x6: {  	s5 =	srdreg.scid;
	s8 =	smul.u32 $0x14000, s11  }
0x7: {  	s28 =	simm.s32 $0x14300;
	s29 =	simm.s32 $0x14380;
	s9 =	smul.u32 $0x500, s11  }
0x8: {  	s30 =	simm.s32 $0x19680;
	s31 =	simm.s32 $0x16E80;
	s13 =	smul.u32 $0x50000, s11  }
0x9: {  	s7 =	sand.u32 $0x1, s5;
	s5 =	simm.s32 $0x0;
	s18 =	smul.u32 $0x2710, s11  }
0xa: {  	s6 =	smul.u32 $0x140000, s7;
	[smem:$0x7FF] =	sst s5;
	s10 =	sshll.u32 s7, $0x4  }
0xb: {  	s23 =	sshll.u32 s7, $0x7;
	s26 =	ssub.s32 $0x2, s7;
	s7 =	smul.u32 $0x27100, s7  }
0xc: {  	_ =	strace $0x80000047;
	s10 =	sor.u32 s11, s10;
	s12 =	sshrl.u32 s26, $0x1  }
0xd: {  	s6 =	sadd.s32 s8, s6;
	s8 =	sor.u32 s23, s9;
	s24 =	smul.u32 $0x2710, s10  }
0xe: {  	s7 =	sadd.s32 s18, s7;
	s23 =	smul.u32 $0xA00, s11;
	s6 =	sshrl.u32 s6, $0x3  }
0xf: {  	s25 =	sshrl.u32 s8, $0x3;
	s8 =	ssub.s32 s26, s12;
	s9 =	sshrl.u32 s24, $0x3  }
0x10: {  	s10 =	sadd.s32 s6, s4;
	s4 =	sadd.s32 s25, s4;
	s6 =	sadd.s32 s0, s9  }
0x11: {  	s24 =	sadd.s32 $0xF0, s7;
	s7 =	sadd.s32 $0x4E2F0, s7;
	s12 =	sadd.s32 $0x9C40, s6  }
0x12: {  	s9 =	sshrl.u32 s13, $0x2;
	s14 =	sadd.s32 $0xA, s6;
	[dreg:$0x6] =	wrdreg s12  }
0x13: {  	s11 =	sshrl.u32 s24, $0x3;
	s15 =	sadd.s32 $0x9C4A, s6;
	[dreg:$0x7] =	wrdreg s14  }
0x14: {  	s7 =	sshrl.u32 s7, $0x3;
	s16 =	sadd.s32 $0x14, s6;
	[dreg:$0x8] =	wrdreg s15  }
0x15: {  	s24 =	sadd.s32 $0x1800, s4;
	s17 =	sadd.s32 $0x9C54, s6;
	[dreg:$0x9] =	wrdreg s16  }
0x16: {  	s4 =	simm.s32 $0x50;
	[dreg:$0xa] =	wrdreg s17;
	s12 =	sadd.s32 s9, s2  }
0x17: {  	s9 =	sshrl.u32 s23, $0x2;
	s17 =	sadd.s32 s11, s0;
	s13 =	sadd.s32 $0x2800, s12  }
0x18: {  	s16 =	sadd.s32 s7, s0;
	s19 =	sadd.s32 $0x5000, s12;
	[dreg:$0xb] =	wrdreg s13  }
0x19: {  	s23 =	sadd.s32 $0x2200, s10;
	s20 =	sadd.s32 $0x7800, s12;
	[dreg:$0xc] =	wrdreg s19  }
0x1a: {  	s0 =	simm.s32 $0x1;
	s21 =	sadd.s32 $0xA000, s12;
	[dreg:$0xd] =	wrdreg s20  }
.Ltmp0:
0x1b: {  	s22 =	sadd.s32 $0xC800, s12;
	[dreg:$0xe] =	wrdreg s21;
	(pc) =	sbr.rel .LBB2_1-.Ltmp0, $4  }
0x1c: {  	s7 =	simm.s32 $0x4;
	s25 =	sadd.s32 $0xF000, s12;
	[dreg:$0xf] =	wrdreg s22  }
0x1d: {  	s10 =	simm.s32 $0x3;
	s26 =	sadd.s32 $0x11800, s12;
	[dreg:$0x10] =	wrdreg s25  }
0x1e: {  	s11 =	simm.s32 $0x0;
	[dreg:$0x11] =	wrdreg s26;
	s22 =	sadd.s32 s9, s3  }
0x1f: {  	v0 =	vimm.f32 $0.0e+00;
	v1 =	vimm.f32 $1.000000000e+00;
	s25 =	smax.u32 s8, $0x1;
	s8 =	simm.s32 $0x2;
	s9 =	simm.s32 $0x1BE80  }
.LBB2_9:
0x20: {  	_ =	swait.ge [sflag:s7], $0x2800  }
0x21: {  	[sflag:s7] =	ssyncset.done $0x0  }
0x22: {  	[sflag:s7] =	ssyncadd.s32 $0xFFFFD800  }
0x23: {  	_ =	swait.ge [sflag:s10], $0x50  }
0x24: {  	[sflag:s10] =	ssyncset.done $0x0  }
0x25: {  	[sflag:s10] =	ssyncadd.s32 $0xFFFFFFB0  }
0x26: {  	_ =	swait.ge [sflag:s8], $0x2800  }
0x27: {  	[sflag:s8] =	ssyncset.done $0x0  }
0x28: {  	[sflag:s8] =	ssyncadd.s32 $0xFFFFD800  }
0x29: {  	[spmem:s3] =	stream.indirect.scatter.add.f32 [tilespmem:s9], [sflag:$0x3], $0x1, s28, s4, $0xb8;
	[tilespmem:$0x1C180] =	vst v63  }
0x2a: {  	_ = 	snop  }
0x2b: {  	[spmem:s2] =	stream.indirect.scatter.add.f32 [tilespmem:s31], [sflag:$0x4], $0x80, s28, s4, $0xb8;
	[tilespmem:$0x1C180] =	vst v63  }
0x2c: {  	_ =	swait.ge [sflag:s7], $0x2800  }
0x2d: {  	[sflag:s7] =	ssyncset.done $0x0  }
0x2e: {  	s13 =	stileid.u32;
	[sflag:s7] =	ssyncadd.s32 $0xFFFFD800  }
0x2f: {  	s15 =	sshrl.u32 s12, $0x3;
	s21 =	sshrl.u32 s22, $0x3;
	_ =	swait.ge [sflag:s10], $0x50  }
0x30: {  	s26 =	simm.s32 $0x20;
	s18 =	simm.s32 $0x10;
	[sflag:s10] =	ssyncset.done $0x0  }
0x31: {  	s11 =	sadd.s32 $0x1, s11;
	s13 =	sshll.u32 s13, $0x6;
	[sflag:s10] =	ssyncadd.s32 $0xFFFFFFB0  }
0x32: {  	s14 =	sor.u32 $0x1C02, s13;
	s13 =	sor.u32 $0x1C03, s13;
	[bflag:$0x0] =	sbarrier.arrive $0xFFFF  }
0x33: {  	[hbm:s23], [sflag:s14] =	dma.local [spmem:s15], $0x2800  }
0x34: {  	[hbm:s24@s26], [sflag:s13] =	dma.strided [spmem:s21@s18], $0x50, s0, $0x10   }
0x35: {  	p0 =	sne.s32 s11, s25;
	_ =	swait.ge [sflag:s8], $0x2800  }
.Ltmp1:
0x36: {  	[sflag:s8] =	ssyncset.done $0x0;
	(pc) =	sbr.rel @!p0 .LBB2_10-.Ltmp1, $4  }
0x37: {  	[sflag:s8] =	ssyncadd.s32 $0xFFFFD800  }
0x38: {  	_ =	swait.ge [sflag:s10], $0x50  }
0x39: {  	[sflag:s10] =	ssyncset.done $0x0  }
0x3a: {  	[sflag:s10] =	ssyncadd.s32 $0xFFFFFFB0  }
.LBB2_1:
0x3b: {  	s13 =	sand.u32 $0xFE00, s5  }
0x3c: {  	s14 =	sand.u32 $0x70, s5;
	s15 =	sshrl.u32 s13, $0x2  }
0x3d: {  	s13 =	simm.s32 $0x40;
	s15 =	sor.u32 s14, s15;
	s14 =	simm.s32 $0x0  }
.LBB2_2:
0x3e: {  	p0 =	sne.s32 s13, $0x9FC0  }
0x3f: {  	[tilespmem:s15+$0x19680] =	vst v0;
	s14 =	sadd.s32 $0x10, s14;
	s15 =	smov.u32 s13;
	s13 =	sadd.s32 $0x40, s13  }
.Ltmp2:
0x40: {  	(pc) =	sbr.rel @p0 .LBB2_2-.Ltmp2, $4  }
0x41: {  	_ = 	snop  }
0x42: {  	s15 =	sand.u32 $0xFE00, s15  }
0x43: {  	s18 =	sand.u32 $0x70, s14;
	s15 =	sshrl.u32 s15, $0x2  }
0x44: {  	s15 =	sor.u32 s18, s15  }
0x45: {  	[tilespmem:s15+$0x19680] =	vst v0  }
0x46: {  	[tilespmem:$0x1BE80] =	vst v1  }
0x47: {  	[tilespmem:$0x1BE90] =	vst v1  }
0x48: {  	[tilespmem:$0x1BEA0] =	vst v1  }
0x49: {  	[tilespmem:$0x1BEB0] =	vst v1  }
0x4a: {  	[tilespmem:$0x1BEC0] =	vst v1  }
0x4b: {  	[tilespmem:$0x1BF00] =	vst v0  }
0x4c: {  	[tilespmem:$0x1BF10] =	vst v0  }
0x4d: {  	[tilespmem:$0x1BF20] =	vst v0  }
0x4e: {  	[tilespmem:$0x1BF30] =	vst v0  }
0x4f: {  	[tilespmem:$0x1BF40] =	vst v0  }
0x50: {  	[tilespmem:$0x1BF50] =	vst v0  }
0x51: {  	[tilespmem:$0x1BF60] =	vst v0  }
0x52: {  	[tilespmem:$0x1BF70] =	vst v0  }
0x53: {  	[tilespmem:$0x1BF80] =	vst v0  }
0x54: {  	[tilespmem:$0x1BF90] =	vst v0  }
0x55: {  	[tilespmem:$0x1BFA0] =	vst v0  }
0x56: {  	[tilespmem:$0x1BFB0] =	vst v0  }
0x57: {  	[tilespmem:$0x1BFC0] =	vst v0  }
0x58: {  	[tilespmem:$0x1BFD0] =	vst v0  }
0x59: {  	[tilespmem:$0x1BFE0] =	vst v0  }
0x5a: {  	[tilespmem:$0x1BFF0] =	vst v0  }
0x5b: {  	[tilespmem:$0x1C000] =	vst v0  }
0x5c: {  	[tilespmem:$0x1C010] =	vst v0  }
0x5d: {  	[tilespmem:$0x1C020] =	vst v0  }
0x5e: {  	[tilespmem:$0x1C030] =	vst v0  }
0x5f: {  	[tilespmem:$0x1C040] =	vst v0  }
0x60: {  	[tilespmem:$0x1C050] =	vst v0  }
0x61: {  	[tilespmem:$0x1C060] =	vst v0  }
0x62: {  	[tilespmem:$0x1C070] =	vst v0  }
0x63: {  	[tilespmem:$0x1C080] =	vst v0  }
0x64: {  	[tilespmem:$0x1C090] =	vst v0  }
0x65: {  	[tilespmem:$0x1C0A0] =	vst v0  }
0x66: {  	[tilespmem:$0x1C0B0] =	vst v0  }
0x67: {  	[tilespmem:$0x1C0C0] =	vst v0  }
0x68: {  	[tilespmem:$0x1C0D0] =	vst v0  }
0x69: {  	[tilespmem:$0x1C0E0] =	vst v0  }
0x6a: {  	[tilespmem:$0x1C0F0] =	vst v0  }
0x6b: {  	[tilespmem:$0x1C100] =	vst v0  }
0x6c: {  	[tilespmem:$0x1C110] =	vst v0  }
0x6d: {  	[tilespmem:$0x1C120] =	vst v0  }
0x6e: {  	[tilespmem:$0x1C130] =	vst v0  }
0x6f: {  	[tilespmem:$0x1C140] =	vst v0  }
0x70: {  	[tilespmem:$0x1C150] =	vst v0  }
0x71: {  	[tilespmem:$0x1C160] =	vst v0  }
0x72: {  	s13 =	simm.s32 $0x0;
	s15 =	simm.s32 $0x14280;
	[tilespmem:$0x1C170] =	vst v0  }
0x73: {  	[tilespmem:s15], [sflag:$0x1] =	stream.linear.gather [hbm4b:s6+s13], $0x50, $0x38;
	[tilespmem:$0x1C180] =	vst v63  }
0x74: {  	s14 =	rddreg [dreg:$0x6]  }
0x75: {  	[tilespmem:s28], [sflag:$0x1] =	stream.linear.gather [hbm4b:s14+s13], $0x50, $0x38;
	[tilespmem:$0x1C180] =	vst v63  }
0x76: {  	s21 =	rddreg [dreg:$0x7]  }
0x77: {  	[tilespmem:s29], [sflag:$0x1] =	stream.linear.gather [hbm4b:s21+s13], $0x50, $0x38;
	[tilespmem:$0x1C180] =	vst v63  }
0x78: {  	s26 =	rddreg [dreg:$0x8];
	s18 =	simm.s32 $0x14400  }
0x79: {  	[tilespmem:s18], [sflag:$0x1] =	stream.linear.gather [hbm4b:s26+s13], $0x50, $0x38;
	[tilespmem:$0x1C180] =	vst v63  }
0x7a: {  	s19 =	rddreg [dreg:$0x9];
	s20 =	simm.s32 $0x14480  }
0x7b: {  	[tilespmem:s20], [sflag:$0x1] =	stream.linear.gather [hbm4b:s19+s13], $0x50, $0x38;
	[tilespmem:$0x1C180] =	vst v63  }
0x7c: {  	s21 =	rddreg [dreg:$0xa];
	s26 =	simm.s32 $0x14500  }
0x7d: {  	[tilespmem:s26], [sflag:$0x1] =	stream.linear.gather [hbm4b:s21+s13], $0x50, $0x38;
	[tilespmem:$0x1C180] =	vst v63  }
0x7e: {  	_ = 	snop  }
0x7f: {  	[spmem:s12] =	stream.linear.scatter [tilespmem:s30], [sflag:$0x4], $0x2800, $0x38;
	[tilespmem:$0x1C180] =	vst v63  }
0x80: {  	s19 =	rddreg [dreg:$0xb]  }
0x81: {  	[spmem:s19] =	stream.linear.scatter [tilespmem:s30], [sflag:$0x4], $0x2800, $0x38;
	[tilespmem:$0x1C180] =	vst v63  }
0x82: {  	s20 =	rddreg [dreg:$0xc]  }
0x83: {  	[spmem:s20] =	stream.linear.scatter [tilespmem:s30], [sflag:$0x4], $0x2800, $0x38;
	[tilespmem:$0x1C180] =	vst v63  }
0x84: {  	s21 =	rddreg [dreg:$0xd]  }
0x85: {  	[spmem:s21] =	stream.linear.scatter [tilespmem:s30], [sflag:$0x4], $0x2800, $0x38;
	[tilespmem:$0x1C180] =	vst v63  }
0x86: {  	s26 =	rddreg [dreg:$0xe]  }
0x87: {  	[spmem:s26] =	stream.linear.scatter [tilespmem:s30], [sflag:$0x4], $0x2800, $0x38;
	[tilespmem:$0x1C180] =	vst v63  }
0x88: {  	s18 =	rddreg [dreg:$0xf]  }
0x89: {  	[spmem:s18] =	stream.linear.scatter [tilespmem:s30], [sflag:$0x4], $0x2800, $0x38;
	[tilespmem:$0x1C180] =	vst v63  }
0x8a: {  	s19 =	rddreg [dreg:$0x10]  }
0x8b: {  	[spmem:s19] =	stream.linear.scatter [tilespmem:s30], [sflag:$0x4], $0x2800, $0x38;
	[tilespmem:$0x1C180] =	vst v63  }
0x8c: {  	s20 =	rddreg [dreg:$0x11]  }
0x8d: {  	[spmem:s20] =	stream.linear.scatter [tilespmem:s30], [sflag:$0x4], $0x2800, $0x38;
	[tilespmem:$0x1C180] =	vst v63  }
0x8e: {  	s21 =	simm.s32 $0x1BF00  }
0x8f: {  	[spmem:s22] =	stream.linear.scatter [tilespmem:s21], [sflag:$0x4], $0x280, $0x38;
	[tilespmem:$0x1C180] =	vst v63  }
0x90: {  	_ =	swait.ge [sflag:s0], $0x50  }
0x91: {  	[sflag:s0] =	ssyncset.done $0x0  }
0x92: {  	[sflag:s0] =	ssyncadd.s32 $0xFFFFFFB0  }
0x93: {  	_ =	swait.ge [sflag:s0], $0x50  }
0x94: {  	[sflag:s0] =	ssyncset.done $0x0  }
0x95: {  	s26 =	simm.s32 $0x14680;
	[sflag:s0] =	ssyncadd.s32 $0xFFFFFFB0  }
0x96: {  	[tilespmem:s26], [sflag:$0x2] =	stream.indirect.gather [hbm4b:s1+s4], $0x80, s15, s4, $0xb8;
	[tilespmem:$0x1C180] =	vst v63  }
0x97: {  	_ =	swait.ge [sflag:s0], $0x50  }
0x98: {  	[sflag:s0] =	ssyncset.done $0x0  }
0x99: {  	[sflag:s0] =	ssyncadd.s32 $0xFFFFFFB0  }
0x9a: {  	_ =	swait.ge [sflag:s0], $0x50  }
0x9b: {  	[sflag:s0] =	ssyncset.done $0x0  }
0x9c: {  	[sflag:s0] =	ssyncadd.s32 $0xFFFFFFB0  }
0x9d: {  	[tilespmem:s31], [sflag:$0x2] =	stream.indirect.gather [hbm4b:s1+s4], $0x80, s29, s4, $0xb8;
	[tilespmem:$0x1C180] =	vst v63  }
0x9e: {  	_ =	swait.ge [sflag:s7], $0x2800  }
0x9f: {  	[sflag:s7] =	ssyncset.done $0x0  }
0xa0: {  	[sflag:s7] =	ssyncadd.s32 $0xFFFFD800  }
0xa1: {  	_ =	swait.ge [sflag:s7], $0x2800  }
0xa2: {  	[sflag:s7] =	ssyncset.done $0x0  }
0xa3: {  	[sflag:s7] =	ssyncadd.s32 $0xFFFFD800  }
0xa4: {  	_ =	swait.ge [sflag:s7], $0x2800  }
0xa5: {  	[sflag:s7] =	ssyncset.done $0x0  }
0xa6: {  	[sflag:s7] =	ssyncadd.s32 $0xFFFFD800  }
0xa7: {  	_ =	swait.ge [sflag:s7], $0x2800  }
0xa8: {  	[sflag:s7] =	ssyncset.done $0x0  }
0xa9: {  	[sflag:s7] =	ssyncadd.s32 $0xFFFFD800  }
0xaa: {  	_ =	swait.ge [sflag:s7], $0x2800  }
0xab: {  	[sflag:s7] =	ssyncset.done $0x0  }
0xac: {  	[sflag:s7] =	ssyncadd.s32 $0xFFFFD800  }
0xad: {  	_ =	swait.ge [sflag:s7], $0x2800  }
0xae: {  	[sflag:s7] =	ssyncset.done $0x0  }
0xaf: {  	[sflag:s7] =	ssyncadd.s32 $0xFFFFD800  }
0xb0: {  	_ =	swait.ge [sflag:s7], $0x2800  }
0xb1: {  	[sflag:s7] =	ssyncset.done $0x0  }
0xb2: {  	[sflag:s7] =	ssyncadd.s32 $0xFFFFD800  }
0xb3: {  	_ =	swait.ge [sflag:s7], $0x2800  }
0xb4: {  	[sflag:s7] =	ssyncset.done $0x0  }
0xb5: {  	[sflag:s7] =	ssyncadd.s32 $0xFFFFD800  }
.Ltmp3:
0xb6: {  	_ =	swait.ge [sflag:s7], $0x280;
	(pc) =	sbr.rel .LBB2_4-.Ltmp3, $4  }
0xb7: {  	[sflag:s7] =	ssyncset.done $0x0  }
0xb8: {  	[sflag:s7] =	ssyncadd.s32 $0xFFFFFD80  }
0xb9: {  	s14 =	simm.s32 $0x300;
	[bflag:$0x0] =	sbarrier.arrive $0xFFFF  }
0xba: {  	s19 =	smov.u32 s17;
	s20 =	smov.u32 s16;
	s15 =	simm.s32 $0x800  }
.LBB2_5:
0xbb: {  	s21 =	sand.u32 $0x300, s14  }
0xbc: {  	s26 =	sadd.s32 $0x14280, s21  }
0xbd: {  	[tilespmem:s26], [sflag:$0x1] =	stream.linear.gather [hbm4b:s19+s5], $0x50, $0x38;
	[tilespmem:$0x1C180] =	vst v63  }
0xbe: {  	s21 =	sadd.s32 $0x14300, s21  }
0xbf: {  	[tilespmem:s21], [sflag:$0x1] =	stream.linear.gather [hbm4b:s20+s5], $0x50, $0x38;
	[tilespmem:$0x1C180] =	vst v63  }
.LBB2_7:
0xc0: {  	s21 =	sadd.s32 $0x156, s18  }
0xc1: {  	s21 =	sshrl.u32 s21, $0x9  }
0xc2: {  	s21 =	sand.u32 $0x7F, s21  }
0xc3: {  	s21 =	smul.u32 $0x3, s21;
	_ =	sdelay $0x1  }
0xc4: {  	s21 =	ssub.s32 s13, s21  }
0xc5: {  	_ =	swait.ge [sflag:s0], $0x50;
	s21 =	sadd.s32 $0x2, s21  }
0xc6: {  	[sflag:s0] =	ssyncset.done $0x0;
	s21 =	sand.u32 $0xFF, s21  }
0xc7: {  	[sflag:s0] =	ssyncadd.s32 $0xFFFFFFB0;
	s21 =	smul.u32 $0xA000, s21  }
0xc8: {  	s26 =	sand.u32 $0xC00, s15;
	_ =	swait.ge [sflag:s0], $0x50  }
0xc9: {  	s26 =	sshrl.u32 s26, $0x2;
	[sflag:s0] =	ssyncset.done $0x0;
	s21 =	sshrl.u32 s21, $0x2  }
0xca: {  	s26 =	sadd.s32 $0x14280, s26;
	[sflag:s0] =	ssyncadd.s32 $0xFFFFFFB0;
	s21 =	sadd.s32 $0x14680, s21  }
0xcb: {  	[tilespmem:s21], [sflag:$0x2] =	stream.indirect.gather [hbm4b:s1+s4], $0x80, s26, s4, $0xb8;
	[tilespmem:$0x1C180] =	vst v63  }
.LBB2_8:
0xcc: {  	s18 =	sshrl.u32 s18, $0x9  }
0xcd: {  	s18 =	sand.u32 $0x7F, s18  }
0xce: {  	s18 =	smul.u32 $0x3, s18  }
0xcf: {  	s21 =	sadd.s32 $0xFFFFF800, s15  }
0xd0: {  	_ =	swait.ge [sflag:s8], $0x2800;
	s21 =	sand.u32 $0xC00, s21;
	s18 =	ssub.s32 s13, s18  }
0xd1: {  	[sflag:s8] =	ssyncset.done $0x0;
	s13 =	sadd.s32 $0x1, s13;
	s18 =	sand.u32 $0xFF, s18  }
0xd2: {  	s21 =	sshrl.u32 s21, $0x2;
	p0 =	sne.s32 s13, $0x7C;
	s18 =	smul.u32 $0xA000, s18  }
.Ltmp4:
0xd3: {  	[sflag:s8] =	ssyncadd.s32 $0xFFFFD800;
	s21 =	sadd.s32 $0x14300, s21;
	(pc) =	sbr.rel @!p0 .LBB2_9-.Ltmp4, $4  }
0xd4: {  	[spmem:s3] =	stream.indirect.scatter.add.f32 [tilespmem:s9], [sflag:$0x3], $0x1, s21, s4, $0xb8;
	[tilespmem:$0x1C180] =	vst v63  }
0xd5: {  	s14 =	sadd.s32 $0x100, s14;
	s19 =	sadd.s32 $0xA, s19;
	s18 =	sshrl.u32 s18, $0x2  }
0xd6: {  	s20 =	sadd.s32 $0xA, s20;
	s15 =	sadd.s32 $0x400, s15;
	s18 =	sadd.s32 $0x14680, s18  }
0xd7: {  	[spmem:s2] =	stream.indirect.scatter.add.f32 [tilespmem:s18], [sflag:$0x4], $0x80, s21, s4, $0xb8;
	[tilespmem:$0x1C180] =	vst v63  }
.LBB2_4:
0xd8: {  	p0 =	seq.s32 s13, $0x0  }
0xd9: {  	s18 =	simm.s32 @!p0 $0x4;
	p1 =	sgt.u32 @!p0 s13, $0x79  }
0xda: {  	_ =	swait.ge @!p0 [sflag:s18], $0x2800;
	p1 =	por p0, !p1  }
.Ltmp5:
0xdb: {  	[sflag:s18] =	ssyncset.done @!p0 $0x0;
	(pc) =	sbr.rel @p1 .LBB2_5-.Ltmp5, $4  }
0xdc: {  	s21 =	simm.s32 @!p0 $0x3;
	[sflag:s18] =	ssyncadd.s32 @!p0 $0xFFFFD800  }
0xdd: {  	_ =	swait.ge @!p0 [sflag:s21], $0x50  }
0xde: {  	[sflag:s21] =	ssyncset.done @!p0 $0x0  }
0xdf: {  	s18 =	smul.u32 $0xAB, s13;
	[sflag:s21] =	ssyncadd.s32 @!p0 $0xFFFFFFB0  }
0xe0: {  	p0 =	seq.s32 s13, $0x7B  }
.Ltmp6:
0xe1: {  	_ = 	snop;
	(pc) =	sbr.rel @p0 .LBB2_8-.Ltmp6, $4  }
.Ltmp7:
0xe2: {  	_ = 	snop;
	(pc) =	sbr.rel @!p0 .LBB2_7-.Ltmp7, $4  }
0xe3: {  	_ = 	snop  }
0xe4: {  	_ = 	snop  }
0xe5: {  	_ = 	snop  }
0xe6: {  	_ = 	snop  }
.LBB2_10:
0xe7: {  	_ =	sfence.sel $0x180000  }
0xe8: {  	[bflag:$0x0] =	sbarrier.arrive $0xFFFF  }
0xe9: {  	_ =	strace $0x90000047  }
0xea: {  	s0 =	stileid.u32;
	[bflag:$0x2] =	sbarrier.arrive $0xFFFF  }
0xeb: {  	p0 =	sne.s32 s0, $0x0;
	s0 =	rddreg [dreg:$0x5]  }
0xec: {  	s0 =	sadd.s32 @!p0 $0x100000, s0  }
0xed: {  	[sflag:s0] =	ssyncadd.tile.s32 @!p0 $0x1;
	_ =	shalt  }
.Lfunc_end2:
_tile_overlayer_lowered:
.L_overlay_start_2:
0xee: {  	(tag) =	ssettag $0x2  }
0xef: {  	s0 =	rddreg [dreg:$0x0];
	s2 =	stileid.u32  }
0xf0: {  	s1 =	rddreg [dreg:$0x1];
	p0 =	sne.s32 s2, $0x0  }
0xf1: {  	s3 =	rddreg [dreg:$0x2];
	[bflag:$0x3] =	sbarrier.arrive $0xFFFF;
	s2 =	simm.s32 @!p0 $0x1C05  }
0xf2: {  	[timem:s3], [sflag:s2] =	dma.local @!p0 [hbm:s0], s1  }
0xf3: {  	s0 =	simm.s32 @!p0 $0x5  }
0xf4: {  	_ =	swait.ge @!p0 [sflag:s0], s1  }
0xf5: {  	s1 =	ssub.s32 @!p0 $0x0, s1;
	[sflag:s0] =	ssyncset.done @!p0 $0x0  }
0xf6: {  	[sflag:s0] =	ssyncadd.s32 @!p0 s1  }
0xf7: {  	[bflag:$0x3] =	sbarrier.arrive $0xFFFF  }
0xf8: {  	_ =	shalt  }

</sc_bundles>
